<compile_context>
chip_gen: v7x
topology: tpu7x:2x2x1
jax: 0.10.2.dev20260603
libtpu: 0.0.44.dev20260713+nightly
codegen_flags: <defaults>
</compile_context>

<pallas_src>
import functools
import math

import jax
import jax.numpy as jnp
from jax import lax
from jax.experimental import pallas as pl
from jax.experimental.pallas import tpu as pltpu
from jax.experimental.pallas import tpu_sc as plsc

N = 1000000
H, W = 1024, 2048
HW = H * W
TPAD = 1

NW = 32
C = 2048
N_PAD = 1 << 20
PW = N_PAD // NW
KCH = PW // C

BR = 32
NR = N_PAD // 1024


def _proj_body(rt_ref, xyz_ref, iq_ref, wq_ref):
    i = pl.program_id(0)
    x = xyz_ref[0]
    y = xyz_ref[1]
    z = xyz_ref[2]
    t0 = rt_ref[0, 9]
    t1 = rt_ref[0, 10]
    t2 = rt_ref[0, 11]
    px = x - t0
    py = y - t1
    pz = z - t2
    nx = rt_ref[0, 0] * px + rt_ref[0, 1] * py + rt_ref[0, 2] * pz
    ny = rt_ref[0, 3] * px + rt_ref[0, 4] * py + rt_ref[0, 5] * pz
    nz = rt_ref[0, 6] * px + rt_ref[0, 7] * py + rt_ref[0, 8] * pz

    theta = jnp.arctan2(jnp.sqrt(nx * nx + ny * ny), nz)
    phi = jnp.arctan2(ny, nx) + jnp.float32(math.pi)
    c0 = 2.0 * (1.0 - phi * jnp.float32(1.0 / (2.0 * math.pi))) - 1.0
    c1 = 2.0 * (theta * jnp.float32(1.0 / math.pi)) - 1.0
    xp = (c0 + 1.0) * jnp.float32(W / 2.0) - 0.5
    yp = (c1 + 1.0) * jnp.float32(H / 2.0) - 0.5

    x0 = jnp.floor(xp)
    y0 = jnp.floor(yp)
    wx1 = xp - x0
    wx0 = 1.0 - wx1
    wy1 = yp - y0
    wy0 = 1.0 - wy1

    row = i * BR + lax.broadcasted_iota(jnp.int32, (BR, 1024), 0)
    pos = row * 1024 + lax.broadcasted_iota(jnp.int32, (BR, 1024), 1)
    inb = pos < N

    corners = (
        (x0, y0, wx0 * wy0),
        (x0 + 1.0, y0, wx1 * wy0),
        (x0, y0 + 1.0, wx0 * wy1),
        (x0 + 1.0, y0 + 1.0, wx1 * wy1),
    )
    for k, (xi, yi, wk) in enumerate(corners):
        valid = ((xi >= 0.0) & (xi <= jnp.float32(W - 1))
                 & (yi >= 0.0) & (yi <= jnp.float32(H - 1)) & inb)
        xc = jnp.clip(xi, 0.0, jnp.float32(W - 1)).astype(jnp.int32)
        yc = jnp.clip(yi, 0.0, jnp.float32(H - 1)).astype(jnp.int32)
        idx = yc * W + xc
        iq_ref[k] = jnp.where(valid, idx, jnp.int32(HW))
        wq_ref[k] = wk


def _project(rt, x3):
    grid = (NR // BR,)
    return pl.pallas_call(
        _proj_body,
        grid=grid,
        in_specs=[
            pl.BlockSpec((1, 16), lambda i: (0, 0)),
            pl.BlockSpec((3, BR, 1024), lambda i: (0, i, 0)),
        ],
        out_specs=[
            pl.BlockSpec((4, BR, 1024), lambda i: (0, i, 0)),
            pl.BlockSpec((4, BR, 1024), lambda i: (0, i, 0)),
        ],
        out_shape=[
            jax.ShapeDtypeStruct((4, NR, 1024), jnp.int32),
            jax.ShapeDtypeStruct((4, NR, 1024), jnp.float32),
        ],
    )(rt, x3)


def _sc_body(table_hbm, iq_hbm, gath_hbm,
             idx0, idx1, idx2, idx3, rows0, rows1, rows2, rows3, sem):
    wid = lax.axis_index("s") * 2 + lax.axis_index("c")
    idxs = [idx0, idx1, idx2, idx3]
    rows = [rows0, rows1, rows2, rows3]

    def chunk_body(g, carry):
        base = wid * PW + g * C
        for k in range(4):
            pltpu.sync_copy(iq_hbm.at[k, pl.ds(base, C)], idxs[k])
        handles = [
            pltpu.async_copy(table_hbm.at[idxs[k]], rows[k], sem)
            for k in range(4)
        ]
        for h in handles:
            h.wait()
        for k in range(4):
            pltpu.sync_copy(rows[k], gath_hbm.at[k, pl.ds(base, C)])
        return carry

    lax.fori_loop(0, KCH, chunk_body, 0)


_sc_gather = functools.partial(
    pl.kernel,
    mesh=plsc.VectorSubcoreMesh(core_axis_name="c", subcore_axis_name="s"),
    out_type=jax.ShapeDtypeStruct((4, N_PAD, 4), jnp.bfloat16),
    compiler_params=pltpu.CompilerParams(use_tc_tiling_on_sc=False),
    scratch_types=[
        pltpu.VMEM((C,), jnp.int32),
        pltpu.VMEM((C,), jnp.int32),
        pltpu.VMEM((C,), jnp.int32),
        pltpu.VMEM((C,), jnp.int32),
        pltpu.VMEM((C, 4), jnp.bfloat16),
        pltpu.VMEM((C, 4), jnp.bfloat16),
        pltpu.VMEM((C, 4), jnp.bfloat16),
        pltpu.VMEM((C, 4), jnp.bfloat16),
        pltpu.SemaphoreType.DMA,
    ],
)(_sc_body)


def _loss_body(g0_ref, g1_ref, g2_ref, g3_ref, wq_ref, rgb_ref, pcd_ref,
               num_ref, den_ref):
    i = pl.program_id(0)
    grefs = [g0_ref, g1_ref, g2_ref, g3_ref]
    w = [wq_ref[k] for k in range(4)]
    sample = []
    for ch in range(4):
        acc = None
        for k in range(4):
            term = grefs[ch][k].astype(jnp.float32) * w[k]
            acc = term if acc is None else acc + term
        sample.append(acc)
    sr, sg, sb, sw = sample
    dr = sr - rgb_ref[0]
    dg = sg - rgb_ref[1]
    db = sb - rgb_ref[2]
    s = dr * dr + dg * dg + db * db
    raw = 0.5 * (sw + pcd_ref[...]) * jnp.sqrt(s)
    mask = (sr != 0.0) | (sg != 0.0) | (sb != 0.0)
    numv = jnp.where(mask, raw, 0.0)
    denv = jnp.where(mask, 1.0, 0.0)
    nsum = jnp.sum(numv, axis=0, keepdims=True)
    dsum = jnp.sum(denv, axis=0, keepdims=True)

    @pl.when(i == 0)
    def _():
        num_ref[...] = jnp.zeros_like(num_ref)
        den_ref[...] = jnp.zeros_like(den_ref)

    num_ref[...] += nsum
    den_ref[...] += dsum


def _loss(g0, g1, g2, g3, wq3, rgb3, pcd3):
    grid = (NR // BR,)
    return pl.pallas_call(
        _loss_body,
        grid=grid,
        in_specs=[
            pl.BlockSpec((4, BR, 1024), lambda i: (0, i, 0)),
            pl.BlockSpec((4, BR, 1024), lambda i: (0, i, 0)),
            pl.BlockSpec((4, BR, 1024), lambda i: (0, i, 0)),
            pl.BlockSpec((4, BR, 1024), lambda i: (0, i, 0)),
            pl.BlockSpec((4, BR, 1024), lambda i: (0, i, 0)),
            pl.BlockSpec((3, BR, 1024), lambda i: (0, i, 0)),
            pl.BlockSpec((BR, 1024), lambda i: (i, 0)),
        ],
        out_specs=[
            pl.BlockSpec((1, 1024), lambda i: (0, 0)),
            pl.BlockSpec((1, 1024), lambda i: (0, 0)),
        ],
        out_shape=[
            jax.ShapeDtypeStruct((1, 1024), jnp.float32),
            jax.ShapeDtypeStruct((1, 1024), jnp.float32),
        ],
    )(g0, g1, g2, g3, wq3, rgb3, pcd3)


def kernel(xyz, rgb, img, img_weight, pcd_weight, translation, yaw, pitch, roll):
    f32 = jnp.float32
    t0 = jnp.zeros(1, dtype=f32)
    t1 = jnp.ones(1, dtype=f32)
    RX = jnp.stack([jnp.stack([t1, t0, t0]),
                    jnp.stack([t0, jnp.cos(roll), -jnp.sin(roll)]),
                    jnp.stack([t0, jnp.sin(roll), jnp.cos(roll)])]).reshape(3, 3)
    RY = jnp.stack([jnp.stack([jnp.cos(pitch), t0, jnp.sin(pitch)]),
                    jnp.stack([t0, t1, t0]),
                    jnp.stack([-jnp.sin(pitch), t0, jnp.cos(pitch)])]).reshape(3, 3)
    RZ = jnp.stack([jnp.stack([jnp.cos(yaw), -jnp.sin(yaw), t0]),
                    jnp.stack([jnp.sin(yaw), jnp.cos(yaw), t0]),
                    jnp.stack([t0, t0, t1])]).reshape(3, 3)
    R = jnp.matmul(jnp.matmul(RZ, RY), RX)
    rt = jnp.concatenate(
        [R.reshape(9), translation.reshape(3), jnp.zeros((4,), f32)]
    ).reshape(1, 16)

    xyzp = jnp.pad(xyz.T, ((0, 0), (0, N_PAD - N)))
    x3 = xyzp.reshape(3, NR, 1024)
    rgb3 = jnp.pad(rgb.T, ((0, 0), (0, N_PAD - N))).reshape(3, NR, 1024)
    pcd3 = jnp.pad(pcd_weight, (0, N_PAD - N)).reshape(NR, 1024)
    table = jnp.concatenate(
        [img.reshape(HW, 3), img_weight.reshape(HW, 1)], axis=1)
    table = jnp.pad(table, ((0, TPAD), (0, 0))).astype(jnp.bfloat16)

    iq3, wq3 = _project(rt, x3)
    iq = iq3.reshape(4, N_PAD)

    gath = _sc_gather(table, iq)
    slices = [gath[:, :, ch].reshape(4, NR, 1024) for ch in range(4)]

    nump, denp = _loss(*slices, wq3, rgb3, pcd3)
    return nump.sum() / denp.sum()

# --- scband reference (transcript-rebuilt; emitter-appended) ---
"""Pipeline reference for scband-sampling-loss-31104153158230 (READ-ONLY COPY).

The authoritative reference and input builder live on the scoring server;
editing this copy changes nothing except your own understanding.
"""

import jax, jax.numpy as jnp
import numpy as np

N = 1000000
H, W = 1024, 2048


def cloud2idx(xyz):
    theta = jnp.arctan2(jnp.sqrt(xyz[:, 0] ** 2 + xyz[:, 1] ** 2), xyz[:, 2])
    phi = jnp.arctan2(xyz[:, 1], xyz[:, 0]) + np.pi
    coord = jnp.stack([1.0 - phi / (2.0 * np.pi), theta / np.pi], axis=-1)
    return 2.0 * coord - 1.0


def sample_from_img(img, coord):
    # bilinear grid_sample with align_corners=False, zeros padding
    Hh, Ww, C = img.shape
    x = (coord[:, 0] + 1.0) * Ww / 2.0 - 0.5
    y = (coord[:, 1] + 1.0) * Hh / 2.0 - 0.5
    x0 = jnp.floor(x)
    y0 = jnp.floor(y)
    x1 = x0 + 1.0
    y1 = y0 + 1.0
    wx1 = x - x0
    wx0 = 1.0 - wx1
    wy1 = y - y0
    wy0 = 1.0 - wy1

    def g(xi, yi):
        valid = ((xi >= 0) & (xi <= Ww - 1) & (yi >= 0) & (yi <= Hh - 1)).astype(img.dtype)
        xc = jnp.clip(xi, 0, Ww - 1).astype(jnp.int32)
        yc = jnp.clip(yi, 0, Hh - 1).astype(jnp.int32)
        return img[yc, xc] * valid[:, None]

    out = (g(x0, y0) * (wx0 * wy0)[:, None]
           + g(x1, y0) * (wx1 * wy0)[:, None]
           + g(x0, y1) * (wx0 * wy1)[:, None]
           + g(x1, y1) * (wx1 * wy1)[:, None])
    return out


def setup_inputs(seed: int = 0):
    key = jax.random.key(seed)
    ks = jax.random.split(key, 9)
    xyz = jax.random.normal(ks[0], (N, 3), dtype=jnp.float32) * 5.0
    rgb = jax.random.uniform(ks[1], (N, 3), dtype=jnp.float32)
    img = jax.random.uniform(ks[2], (H, W, 3), dtype=jnp.float32)
    img_weight = jax.random.uniform(ks[3], (H, W, 1), dtype=jnp.float32)
    pcd_weight = jax.random.uniform(ks[4], (N,), dtype=jnp.float32)
    translation = jax.random.normal(ks[5], (3, 1), dtype=jnp.float32)
    yaw = jax.random.normal(ks[6], (1,), dtype=jnp.float32)
    pitch = jax.random.normal(ks[7], (1,), dtype=jnp.float32)
    roll = jax.random.normal(ks[8], (1,), dtype=jnp.float32)
    return {"xyz": xyz, "rgb": rgb, "img": img, "img_weight": img_weight,
            "pcd_weight": pcd_weight, "translation": translation,
            "yaw": yaw, "pitch": pitch, "roll": roll}


def reference(xyz, rgb, img, img_weight, pcd_weight, translation, yaw, pitch, roll):
    t0 = jnp.zeros(1, dtype=xyz.dtype)
    t1 = jnp.ones(1, dtype=xyz.dtype)
    RX = jnp.stack([jnp.stack([t1, t0, t0]),
                    jnp.stack([t0, jnp.cos(roll), -jnp.sin(roll)]),
                    jnp.stack([t0, jnp.sin(roll), jnp.cos(roll)])]).reshape(3, 3)
    RY = jnp.stack([jnp.stack([jnp.cos(pitch), t0, jnp.sin(pitch)]),
                    jnp.stack([t0, t1, t0]),
                    jnp.stack([-jnp.sin(pitch), t0, jnp.cos(pitch)])]).reshape(3, 3)
    RZ = jnp.stack([jnp.stack([jnp.cos(yaw), -jnp.sin(yaw), t0]),
                    jnp.stack([jnp.sin(yaw), jnp.cos(yaw), t0]),
                    jnp.stack([t0, t0, t1])]).reshape(3, 3)
    R = jnp.matmul(jnp.matmul(RZ, RY), RX)
    new_xyz = jnp.transpose(xyz, (1, 0)) - translation
    new_xyz = jnp.transpose(jnp.matmul(R, new_xyz), (1, 0))
    coord_arr = cloud2idx(new_xyz)
    in_rgb = rgb
    sample_rgb = sample_from_img(img, coord_arr)
    raw_loss = jnp.linalg.norm(sample_rgb - in_rgb, axis=-1)
    loss_img_weight = jax.lax.stop_gradient(sample_from_img(img_weight, coord_arr)).squeeze()
    raw_loss = 0.5 * (loss_img_weight + pcd_weight.squeeze()) * raw_loss
    mask = (jnp.sum((sample_rgb == 0).astype(jnp.int32), axis=1) != 3).astype(raw_loss.dtype)
    rgb_loss = (raw_loss * mask).sum() / mask.sum()
    return rgb_loss

if __name__ == "__main__":
    import jax
    _d = setup_inputs()
    print(jax.jit(kernel)(*tuple(_d.values())))

</pallas_src>

<mosaic_0001>
#map = affine_map<(d0, d1) -> (0, 0)>
#map1 = affine_map<(d0, d1) -> (0, 0, 0)>
module attributes {stable_mosaic.version = 14 : i64} {
  func.func @_sc_body(%arg0: i32, %arg1: i32, %arg2: memref<2097153x4xbf16, #tpu.memory_space<hbm>>, %arg3: memref<4x1048576xi32, #tpu.memory_space<hbm>>, %arg4: memref<4x1048576x4xbf16, #tpu.memory_space<hbm>>, %arg5: memref<2048xi32, #tpu.memory_space<vmem>>, %arg6: memref<2048xi32, #tpu.memory_space<vmem>>, %arg7: memref<2048xi32, #tpu.memory_space<vmem>>, %arg8: memref<2048xi32, #tpu.memory_space<vmem>>, %arg9: memref<2048x4xbf16, #tpu.memory_space<vmem>>, %arg10: memref<2048x4xbf16, #tpu.memory_space<vmem>>, %arg11: memref<2048x4xbf16, #tpu.memory_space<vmem>>, %arg12: memref<2048x4xbf16, #tpu.memory_space<vmem>>, %arg13: memref<!tpu.dma_semaphore, #tpu.memory_space<semaphore_mem>>) attributes {dimension_semantics = [#tpu.dimension_semantics<core_parallel>, #tpu.dimension_semantics<subcore_parallel>], iteration_bounds = array<i64: 2, 16>, scalar_prefetch = 0 : i64, scratch_operands = 9 : i64, tpu.core_type = #tpu.core_type<sc_vector_subcore>, window_params = [{transform_indices = #map}, {transform_indices = #map}, {transform_indices = #map1}]} {
    %mul3A = arith.constant 2 : i32
    %mul3A_0 = arith.muli %arg1, %mul3A : i32
    %add3A = arith.addi %mul3A_0, %arg0 : i32
    %scan3A = arith.constant 0 : i32
    %scan3A_1 = arith.constant 0 : i32
    %scan3A_2 = arith.constant 16 : i32
    %scan3A_3 = arith.addi %scan3A_1, %scan3A_2 : i32
    %scan3A_4 = arith.constant 1 : i32
    scf.for %scan3A_6 = %scan3A_1 to %scan3A_3 step %scan3A_4  : i32 {
      %mul3A_7 = arith.constant 32768 : i32
      %mul3A_8 = arith.muli %add3A, %mul3A_7 : i32
      %mul3A_9 = arith.constant 2048 : i32
      %mul3A_10 = arith.muli %scan3A_6, %mul3A_9 : i32
      %add3A_11 = arith.addi %mul3A_8, %mul3A_10 : i32
      %run_scoped3A = arith.constant 0 : i32
      "tpu.region"() ({
        %run_scoped3A_41 = tpu.sem_alloc : memref<!tpu.dma_semaphore, #tpu.memory_space<semaphore_mem>>
        %dma_start3A_42 = tpu.memref_slice %arg3[%run_scoped3A, %add3A_11] : memref<4x1048576xi32, #tpu.memory_space<hbm>> -> memref<1x2048xi32, #tpu.memory_space<hbm>>
        %dma_start3A_43 = tpu.memref_squeeze %dma_start3A_42 : memref<1x2048xi32, #tpu.memory_space<hbm>> -> memref<2048xi32, #tpu.memory_space<hbm>>
        %dma_start3A_44 = tpu.memref_slice %arg3[%run_scoped3A, %add3A_11] : memref<4x1048576xi32, #tpu.memory_space<hbm>> -> memref<1x2048xi32, #tpu.memory_space<hbm>>
        %dma_start3A_45 = tpu.memref_squeeze %dma_start3A_44 : memref<1x2048xi32, #tpu.memory_space<hbm>> -> memref<2048xi32, #tpu.memory_space<hbm>>
        tpu.enqueue_dma source(%dma_start3A_45 : memref<2048xi32, #tpu.memory_space<hbm>>) target(%arg5 : memref<2048xi32, #tpu.memory_space<vmem>>) target_semaphore(%run_scoped3A_41 : memref<!tpu.dma_semaphore, #tpu.memory_space<semaphore_mem>>)
        %dma_wait3A_46 = tpu.memref_slice %arg3[%run_scoped3A, %add3A_11] : memref<4x1048576xi32, #tpu.memory_space<hbm>> -> memref<1x2048xi32, #tpu.memory_space<hbm>>
        %dma_wait3A_47 = tpu.memref_squeeze %dma_wait3A_46 : memref<1x2048xi32, #tpu.memory_space<hbm>> -> memref<2048xi32, #tpu.memory_space<hbm>>
        %dma_wait3A_48 = tpu.memref_slice %arg3[%run_scoped3A, %add3A_11] : memref<4x1048576xi32, #tpu.memory_space<hbm>> -> memref<1x2048xi32, #tpu.memory_space<hbm>>
        %dma_wait3A_49 = tpu.memref_squeeze %dma_wait3A_48 : memref<1x2048xi32, #tpu.memory_space<hbm>> -> memref<2048xi32, #tpu.memory_space<hbm>>
        tpu.wait_dma2 semaphore(%run_scoped3A_41 : memref<!tpu.dma_semaphore, #tpu.memory_space<semaphore_mem>>) src(%dma_wait3A_49 : memref<2048xi32, #tpu.memory_space<hbm>>) dst(%arg5 : memref<2048xi32, #tpu.memory_space<vmem>>)
        tpu.yield
      }) : () -> ()
      %run_scoped3A_12 = arith.constant 1 : i32
      "tpu.region"() ({
        %run_scoped3A_41 = tpu.sem_alloc : memref<!tpu.dma_semaphore, #tpu.memory_space<semaphore_mem>>
        %dma_start3A_42 = tpu.memref_slice %arg3[%run_scoped3A_12, %add3A_11] : memref<4x1048576xi32, #tpu.memory_space<hbm>> -> memref<1x2048xi32, #tpu.memory_space<hbm>>
        %dma_start3A_43 = tpu.memref_squeeze %dma_start3A_42 : memref<1x2048xi32, #tpu.memory_space<hbm>> -> memref<2048xi32, #tpu.memory_space<hbm>>
        %dma_start3A_44 = tpu.memref_slice %arg3[%run_scoped3A_12, %add3A_11] : memref<4x1048576xi32, #tpu.memory_space<hbm>> -> memref<1x2048xi32, #tpu.memory_space<hbm>>
        %dma_start3A_45 = tpu.memref_squeeze %dma_start3A_44 : memref<1x2048xi32, #tpu.memory_space<hbm>> -> memref<2048xi32, #tpu.memory_space<hbm>>
        tpu.enqueue_dma source(%dma_start3A_45 : memref<2048xi32, #tpu.memory_space<hbm>>) target(%arg6 : memref<2048xi32, #tpu.memory_space<vmem>>) target_semaphore(%run_scoped3A_41 : memref<!tpu.dma_semaphore, #tpu.memory_space<semaphore_mem>>)
        %dma_wait3A_46 = tpu.memref_slice %arg3[%run_scoped3A_12, %add3A_11] : memref<4x1048576xi32, #tpu.memory_space<hbm>> -> memref<1x2048xi32, #tpu.memory_space<hbm>>
        %dma_wait3A_47 = tpu.memref_squeeze %dma_wait3A_46 : memref<1x2048xi32, #tpu.memory_space<hbm>> -> memref<2048xi32, #tpu.memory_space<hbm>>
        %dma_wait3A_48 = tpu.memref_slice %arg3[%run_scoped3A_12, %add3A_11] : memref<4x1048576xi32, #tpu.memory_space<hbm>> -> memref<1x2048xi32, #tpu.memory_space<hbm>>
        %dma_wait3A_49 = tpu.memref_squeeze %dma_wait3A_48 : memref<1x2048xi32, #tpu.memory_space<hbm>> -> memref<2048xi32, #tpu.memory_space<hbm>>
        tpu.wait_dma2 semaphore(%run_scoped3A_41 : memref<!tpu.dma_semaphore, #tpu.memory_space<semaphore_mem>>) src(%dma_wait3A_49 : memref<2048xi32, #tpu.memory_space<hbm>>) dst(%arg6 : memref<2048xi32, #tpu.memory_space<vmem>>)
        tpu.yield
      }) : () -> ()
      %run_scoped3A_13 = arith.constant 2 : i32
      "tpu.region"() ({
        %run_scoped3A_41 = tpu.sem_alloc : memref<!tpu.dma_semaphore, #tpu.memory_space<semaphore_mem>>
        %dma_start3A_42 = tpu.memref_slice %arg3[%run_scoped3A_13, %add3A_11] : memref<4x1048576xi32, #tpu.memory_space<hbm>> -> memref<1x2048xi32, #tpu.memory_space<hbm>>
        %dma_start3A_43 = tpu.memref_squeeze %dma_start3A_42 : memref<1x2048xi32, #tpu.memory_space<hbm>> -> memref<2048xi32, #tpu.memory_space<hbm>>
        %dma_start3A_44 = tpu.memref_slice %arg3[%run_scoped3A_13, %add3A_11] : memref<4x1048576xi32, #tpu.memory_space<hbm>> -> memref<1x2048xi32, #tpu.memory_space<hbm>>
        %dma_start3A_45 = tpu.memref_squeeze %dma_start3A_44 : memref<1x2048xi32, #tpu.memory_space<hbm>> -> memref<2048xi32, #tpu.memory_space<hbm>>
        tpu.enqueue_dma source(%dma_start3A_45 : memref<2048xi32, #tpu.memory_space<hbm>>) target(%arg7 : memref<2048xi32, #tpu.memory_space<vmem>>) target_semaphore(%run_scoped3A_41 : memref<!tpu.dma_semaphore, #tpu.memory_space<semaphore_mem>>)
        %dma_wait3A_46 = tpu.memref_slice %arg3[%run_scoped3A_13, %add3A_11] : memref<4x1048576xi32, #tpu.memory_space<hbm>> -> memref<1x2048xi32, #tpu.memory_space<hbm>>
        %dma_wait3A_47 = tpu.memref_squeeze %dma_wait3A_46 : memref<1x2048xi32, #tpu.memory_space<hbm>> -> memref<2048xi32, #tpu.memory_space<hbm>>
        %dma_wait3A_48 = tpu.memref_slice %arg3[%run_scoped3A_13, %add3A_11] : memref<4x1048576xi32, #tpu.memory_space<hbm>> -> memref<1x2048xi32, #tpu.memory_space<hbm>>
        %dma_wait3A_49 = tpu.memref_squeeze %dma_wait3A_48 : memref<1x2048xi32, #tpu.memory_space<hbm>> -> memref<2048xi32, #tpu.memory_space<hbm>>
        tpu.wait_dma2 semaphore(%run_scoped3A_41 : memref<!tpu.dma_semaphore, #tpu.memory_space<semaphore_mem>>) src(%dma_wait3A_49 : memref<2048xi32, #tpu.memory_space<hbm>>) dst(%arg7 : memref<2048xi32, #tpu.memory_space<vmem>>)
        tpu.yield
      }) : () -> ()
      %run_scoped3A_14 = arith.constant 3 : i32
      "tpu.region"() ({
        %run_scoped3A_41 = tpu.sem_alloc : memref<!tpu.dma_semaphore, #tpu.memory_space<semaphore_mem>>
        %dma_start3A_42 = tpu.memref_slice %arg3[%run_scoped3A_14, %add3A_11] : memref<4x1048576xi32, #tpu.memory_space<hbm>> -> memref<1x2048xi32, #tpu.memory_space<hbm>>
        %dma_start3A_43 = tpu.memref_squeeze %dma_start3A_42 : memref<1x2048xi32, #tpu.memory_space<hbm>> -> memref<2048xi32, #tpu.memory_space<hbm>>
        %dma_start3A_44 = tpu.memref_slice %arg3[%run_scoped3A_14, %add3A_11] : memref<4x1048576xi32, #tpu.memory_space<hbm>> -> memref<1x2048xi32, #tpu.memory_space<hbm>>
        %dma_start3A_45 = tpu.memref_squeeze %dma_start3A_44 : memref<1x2048xi32, #tpu.memory_space<hbm>> -> memref<2048xi32, #tpu.memory_space<hbm>>
        tpu.enqueue_dma source(%dma_start3A_45 : memref<2048xi32, #tpu.memory_space<hbm>>) target(%arg8 : memref<2048xi32, #tpu.memory_space<vmem>>) target_semaphore(%run_scoped3A_41 : memref<!tpu.dma_semaphore, #tpu.memory_space<semaphore_mem>>)
        %dma_wait3A_46 = tpu.memref_slice %arg3[%run_scoped3A_14, %add3A_11] : memref<4x1048576xi32, #tpu.memory_space<hbm>> -> memref<1x2048xi32, #tpu.memory_space<hbm>>
        %dma_wait3A_47 = tpu.memref_squeeze %dma_wait3A_46 : memref<1x2048xi32, #tpu.memory_space<hbm>> -> memref<2048xi32, #tpu.memory_space<hbm>>
        %dma_wait3A_48 = tpu.memref_slice %arg3[%run_scoped3A_14, %add3A_11] : memref<4x1048576xi32, #tpu.memory_space<hbm>> -> memref<1x2048xi32, #tpu.memory_space<hbm>>
        %dma_wait3A_49 = tpu.memref_squeeze %dma_wait3A_48 : memref<1x2048xi32, #tpu.memory_space<hbm>> -> memref<2048xi32, #tpu.memory_space<hbm>>
        tpu.wait_dma2 semaphore(%run_scoped3A_41 : memref<!tpu.dma_semaphore, #tpu.memory_space<semaphore_mem>>) src(%dma_wait3A_49 : memref<2048xi32, #tpu.memory_space<hbm>>) dst(%arg8 : memref<2048xi32, #tpu.memory_space<vmem>>)
        tpu.yield
      }) : () -> ()
      %dma_start3A = arith.constant 0 : i32
      %dma_start3A_15 = arith.constant 0 : i32
      %dma_start3A_16 = tpu.memref_slice %arg2[%dma_start3A, %dma_start3A_15] : memref<2097153x4xbf16, #tpu.memory_space<hbm>> -> memref<2097153x4xbf16, #tpu.memory_space<hbm>>
      tpu.enqueue_indirect_dma source(%dma_start3A_16 : memref<2097153x4xbf16, #tpu.memory_space<hbm>>) target(%arg9 : memref<2048x4xbf16, #tpu.memory_space<vmem>>) offsets(%arg5 : memref<2048xi32, #tpu.memory_space<vmem>>) semaphore(%arg13 : memref<!tpu.dma_semaphore, #tpu.memory_space<semaphore_mem>>)
      %dma_start3A_17 = arith.constant 0 : i32
      %dma_start3A_18 = arith.constant 0 : i32
      %dma_start3A_19 = tpu.memref_slice %arg2[%dma_start3A_17, %dma_start3A_18] : memref<2097153x4xbf16, #tpu.memory_space<hbm>> -> memref<2097153x4xbf16, #tpu.memory_space<hbm>>
      tpu.enqueue_indirect_dma source(%dma_start3A_19 : memref<2097153x4xbf16, #tpu.memory_space<hbm>>) target(%arg10 : memref<2048x4xbf16, #tpu.memory_space<vmem>>) offsets(%arg6 : memref<2048xi32, #tpu.memory_space<vmem>>) semaphore(%arg13 : memref<!tpu.dma_semaphore, #tpu.memory_space<semaphore_mem>>)
      %dma_start3A_20 = arith.constant 0 : i32
      %dma_start3A_21 = arith.constant 0 : i32
      %dma_start3A_22 = tpu.memref_slice %arg2[%dma_start3A_20, %dma_start3A_21] : memref<2097153x4xbf16, #tpu.memory_space<hbm>> -> memref<2097153x4xbf16, #tpu.memory_space<hbm>>
      tpu.enqueue_indirect_dma source(%dma_start3A_22 : memref<2097153x4xbf16, #tpu.memory_space<hbm>>) target(%arg11 : memref<2048x4xbf16, #tpu.memory_space<vmem>>) offsets(%arg7 : memref<2048xi32, #tpu.memory_space<vmem>>) semaphore(%arg13 : memref<!tpu.dma_semaphore, #tpu.memory_space<semaphore_mem>>)
      %dma_start3A_23 = arith.constant 0 : i32
      %dma_start3A_24 = arith.constant 0 : i32
      %dma_start3A_25 = tpu.memref_slice %arg2[%dma_start3A_23, %dma_start3A_24] : memref<2097153x4xbf16, #tpu.memory_space<hbm>> -> memref<2097153x4xbf16, #tpu.memory_space<hbm>>
      tpu.enqueue_indirect_dma source(%dma_start3A_25 : memref<2097153x4xbf16, #tpu.memory_space<hbm>>) target(%arg12 : memref<2048x4xbf16, #tpu.memory_space<vmem>>) offsets(%arg8 : memref<2048xi32, #tpu.memory_space<vmem>>) semaphore(%arg13 : memref<!tpu.dma_semaphore, #tpu.memory_space<semaphore_mem>>)
      %dma_wait3A = arith.constant 0 : i32
      %dma_wait3A_26 = arith.constant 0 : i32
      %dma_wait3A_27 = tpu.memref_slice %arg2[%dma_wait3A, %dma_wait3A_26] : memref<2097153x4xbf16, #tpu.memory_space<hbm>> -> memref<2097153x4xbf16, #tpu.memory_space<hbm>>
      tpu.wait_indirect_dma semaphore(%arg13 : memref<!tpu.dma_semaphore, #tpu.memory_space<semaphore_mem>>) src(%dma_wait3A_27 : memref<2097153x4xbf16, #tpu.memory_space<hbm>>) dst(%arg9 : memref<2048x4xbf16, #tpu.memory_space<vmem>>)
      %dma_wait3A_28 = arith.constant 0 : i32
      %dma_wait3A_29 = arith.constant 0 : i32
      %dma_wait3A_30 = tpu.memref_slice %arg2[%dma_wait3A_28, %dma_wait3A_29] : memref<2097153x4xbf16, #tpu.memory_space<hbm>> -> memref<2097153x4xbf16, #tpu.memory_space<hbm>>
      tpu.wait_indirect_dma semaphore(%arg13 : memref<!tpu.dma_semaphore, #tpu.memory_space<semaphore_mem>>) src(%dma_wait3A_30 : memref<2097153x4xbf16, #tpu.memory_space<hbm>>) dst(%arg10 : memref<2048x4xbf16, #tpu.memory_space<vmem>>)
      %dma_wait3A_31 = arith.constant 0 : i32
      %dma_wait3A_32 = arith.constant 0 : i32
      %dma_wait3A_33 = tpu.memref_slice %arg2[%dma_wait3A_31, %dma_wait3A_32] : memref<2097153x4xbf16, #tpu.memory_space<hbm>> -> memref<2097153x4xbf16, #tpu.memory_space<hbm>>
      tpu.wait_indirect_dma semaphore(%arg13 : memref<!tpu.dma_semaphore, #tpu.memory_space<semaphore_mem>>) src(%dma_wait3A_33 : memref<2097153x4xbf16, #tpu.memory_space<hbm>>) dst(%arg11 : memref<2048x4xbf16, #tpu.memory_space<vmem>>)
      %dma_wait3A_34 = arith.constant 0 : i32
      %dma_wait3A_35 = arith.constant 0 : i32
      %dma_wait3A_36 = tpu.memref_slice %arg2[%dma_wait3A_34, %dma_wait3A_35] : memref<2097153x4xbf16, #tpu.memory_space<hbm>> -> memref<2097153x4xbf16, #tpu.memory_space<hbm>>
      tpu.wait_indirect_dma semaphore(%arg13 : memref<!tpu.dma_semaphore, #tpu.memory_space<semaphore_mem>>) src(%dma_wait3A_36 : memref<2097153x4xbf16, #tpu.memory_space<hbm>>) dst(%arg12 : memref<2048x4xbf16, #tpu.memory_space<vmem>>)
      %run_scoped3A_37 = arith.constant 0 : i32
      "tpu.region"() ({
        %run_scoped3A_41 = tpu.sem_alloc : memref<!tpu.dma_semaphore, #tpu.memory_space<semaphore_mem>>
        %dma_start3A_42 = arith.constant 0 : i32
        %dma_start3A_43 = tpu.memref_slice %arg4[%run_scoped3A_37, %add3A_11, %dma_start3A_42] : memref<4x1048576x4xbf16, #tpu.memory_space<hbm>> -> memref<1x2048x4xbf16, #tpu.memory_space<hbm>>
        %dma_start3A_44 = tpu.memref_squeeze %dma_start3A_43 : memref<1x2048x4xbf16, #tpu.memory_space<hbm>> -> memref<2048x4xbf16, #tpu.memory_space<hbm>>
        %dma_start3A_45 = arith.constant 0 : i32
        %dma_start3A_46 = tpu.memref_slice %arg4[%run_scoped3A_37, %add3A_11, %dma_start3A_45] : memref<4x1048576x4xbf16, #tpu.memory_space<hbm>> -> memref<1x2048x4xbf16, #tpu.memory_space<hbm>>
        %dma_start3A_47 = tpu.memref_squeeze %dma_start3A_46 : memref<1x2048x4xbf16, #tpu.memory_space<hbm>> -> memref<2048x4xbf16, #tpu.memory_space<hbm>>
        tpu.enqueue_dma source(%arg9 : memref<2048x4xbf16, #tpu.memory_space<vmem>>) target(%dma_start3A_47 : memref<2048x4xbf16, #tpu.memory_space<hbm>>) target_semaphore(%run_scoped3A_41 : memref<!tpu.dma_semaphore, #tpu.memory_space<semaphore_mem>>)
        %dma_wait3A_48 = arith.constant 0 : i32
        %dma_wait3A_49 = tpu.memref_slice %arg4[%run_scoped3A_37, %add3A_11, %dma_wait3A_48] : memref<4x1048576x4xbf16, #tpu.memory_space<hbm>> -> memref<1x2048x4xbf16, #tpu.memory_space<hbm>>
        %dma_wait3A_50 = tpu.memref_squeeze %dma_wait3A_49 : memref<1x2048x4xbf16, #tpu.memory_space<hbm>> -> memref<2048x4xbf16, #tpu.memory_space<hbm>>
        %dma_wait3A_51 = arith.constant 0 : i32
        %dma_wait3A_52 = tpu.memref_slice %arg4[%run_scoped3A_37, %add3A_11, %dma_wait3A_51] : memref<4x1048576x4xbf16, #tpu.memory_space<hbm>> -> memref<1x2048x4xbf16, #tpu.memory_space<hbm>>
        %dma_wait3A_53 = tpu.memref_squeeze %dma_wait3A_52 : memref<1x2048x4xbf16, #tpu.memory_space<hbm>> -> memref<2048x4xbf16, #tpu.memory_space<hbm>>
        tpu.wait_dma2 semaphore(%run_scoped3A_41 : memref<!tpu.dma_semaphore, #tpu.memory_space<semaphore_mem>>) src(%arg9 : memref<2048x4xbf16, #tpu.memory_space<vmem>>) dst(%dma_wait3A_53 : memref<2048x4xbf16, #tpu.memory_space<hbm>>)
        tpu.yield
      }) : () -> ()
      %run_scoped3A_38 = arith.constant 1 : i32
      "tpu.region"() ({
        %run_scoped3A_41 = tpu.sem_alloc : memref<!tpu.dma_semaphore, #tpu.memory_space<semaphore_mem>>
        %dma_start3A_42 = arith.constant 0 : i32
        %dma_start3A_43 = tpu.memref_slice %arg4[%run_scoped3A_38, %add3A_11, %dma_start3A_42] : memref<4x1048576x4xbf16, #tpu.memory_space<hbm>> -> memref<1x2048x4xbf16, #tpu.memory_space<hbm>>
        %dma_start3A_44 = tpu.memref_squeeze %dma_start3A_43 : memref<1x2048x4xbf16, #tpu.memory_space<hbm>> -> memref<2048x4xbf16, #tpu.memory_space<hbm>>
        %dma_start3A_45 = arith.constant 0 : i32
        %dma_start3A_46 = tpu.memref_slice %arg4[%run_scoped3A_38, %add3A_11, %dma_start3A_45] : memref<4x1048576x4xbf16, #tpu.memory_space<hbm>> -> memref<1x2048x4xbf16, #tpu.memory_space<hbm>>
        %dma_start3A_47 = tpu.memref_squeeze %dma_start3A_46 : memref<1x2048x4xbf16, #tpu.memory_space<hbm>> -> memref<2048x4xbf16, #tpu.memory_space<hbm>>
        tpu.enqueue_dma source(%arg10 : memref<2048x4xbf16, #tpu.memory_space<vmem>>) target(%dma_start3A_47 : memref<2048x4xbf16, #tpu.memory_space<hbm>>) target_semaphore(%run_scoped3A_41 : memref<!tpu.dma_semaphore, #tpu.memory_space<semaphore_mem>>)
        %dma_wait3A_48 = arith.constant 0 : i32
        %dma_wait3A_49 = tpu.memref_slice %arg4[%run_scoped3A_38, %add3A_11, %dma_wait3A_48] : memref<4x1048576x4xbf16, #tpu.memory_space<hbm>> -> memref<1x2048x4xbf16, #tpu.memory_space<hbm>>
        %dma_wait3A_50 = tpu.memref_squeeze %dma_wait3A_49 : memref<1x2048x4xbf16, #tpu.memory_space<hbm>> -> memref<2048x4xbf16, #tpu.memory_space<hbm>>
        %dma_wait3A_51 = arith.constant 0 : i32
        %dma_wait3A_52 = tpu.memref_slice %arg4[%run_scoped3A_38, %add3A_11, %dma_wait3A_51] : memref<4x1048576x4xbf16, #tpu.memory_space<hbm>> -> memref<1x2048x4xbf16, #tpu.memory_space<hbm>>
        %dma_wait3A_53 = tpu.memref_squeeze %dma_wait3A_52 : memref<1x2048x4xbf16, #tpu.memory_space<hbm>> -> memref<2048x4xbf16, #tpu.memory_space<hbm>>
        tpu.wait_dma2 semaphore(%run_scoped3A_41 : memref<!tpu.dma_semaphore, #tpu.memory_space<semaphore_mem>>) src(%arg10 : memref<2048x4xbf16, #tpu.memory_space<vmem>>) dst(%dma_wait3A_53 : memref<2048x4xbf16, #tpu.memory_space<hbm>>)
        tpu.yield
      }) : () -> ()
      %run_scoped3A_39 = arith.constant 2 : i32
      "tpu.region"() ({
        %run_scoped3A_41 = tpu.sem_alloc : memref<!tpu.dma_semaphore, #tpu.memory_space<semaphore_mem>>
        %dma_start3A_42 = arith.constant 0 : i32
        %dma_start3A_43 = tpu.memref_slice %arg4[%run_scoped3A_39, %add3A_11, %dma_start3A_42] : memref<4x1048576x4xbf16, #tpu.memory_space<hbm>> -> memref<1x2048x4xbf16, #tpu.memory_space<hbm>>
        %dma_start3A_44 = tpu.memref_squeeze %dma_start3A_43 : memref<1x2048x4xbf16, #tpu.memory_space<hbm>> -> memref<2048x4xbf16, #tpu.memory_space<hbm>>
        %dma_start3A_45 = arith.constant 0 : i32
        %dma_start3A_46 = tpu.memref_slice %arg4[%run_scoped3A_39, %add3A_11, %dma_start3A_45] : memref<4x1048576x4xbf16, #tpu.memory_space<hbm>> -> memref<1x2048x4xbf16, #tpu.memory_space<hbm>>
        %dma_start3A_47 = tpu.memref_squeeze %dma_start3A_46 : memref<1x2048x4xbf16, #tpu.memory_space<hbm>> -> memref<2048x4xbf16, #tpu.memory_space<hbm>>
        tpu.enqueue_dma source(%arg11 : memref<2048x4xbf16, #tpu.memory_space<vmem>>) target(%dma_start3A_47 : memref<2048x4xbf16, #tpu.memory_space<hbm>>) target_semaphore(%run_scoped3A_41 : memref<!tpu.dma_semaphore, #tpu.memory_space<semaphore_mem>>)
        %dma_wait3A_48 = arith.constant 0 : i32
        %dma_wait3A_49 = tpu.memref_slice %arg4[%run_scoped3A_39, %add3A_11, %dma_wait3A_48] : memref<4x1048576x4xbf16, #tpu.memory_space<hbm>> -> memref<1x2048x4xbf16, #tpu.memory_space<hbm>>
        %dma_wait3A_50 = tpu.memref_squeeze %dma_wait3A_49 : memref<1x2048x4xbf16, #tpu.memory_space<hbm>> -> memref<2048x4xbf16, #tpu.memory_space<hbm>>
        %dma_wait3A_51 = arith.constant 0 : i32
        %dma_wait3A_52 = tpu.memref_slice %arg4[%run_scoped3A_39, %add3A_11, %dma_wait3A_51] : memref<4x1048576x4xbf16, #tpu.memory_space<hbm>> -> memref<1x2048x4xbf16, #tpu.memory_space<hbm>>
        %dma_wait3A_53 = tpu.memref_squeeze %dma_wait3A_52 : memref<1x2048x4xbf16, #tpu.memory_space<hbm>> -> memref<2048x4xbf16, #tpu.memory_space<hbm>>
        tpu.wait_dma2 semaphore(%run_scoped3A_41 : memref<!tpu.dma_semaphore, #tpu.memory_space<semaphore_mem>>) src(%arg11 : memref<2048x4xbf16, #tpu.memory_space<vmem>>) dst(%dma_wait3A_53 : memref<2048x4xbf16, #tpu.memory_space<hbm>>)
        tpu.yield
      }) : () -> ()
      %run_scoped3A_40 = arith.constant 3 : i32
      "tpu.region"() ({
        %run_scoped3A_41 = tpu.sem_alloc : memref<!tpu.dma_semaphore, #tpu.memory_space<semaphore_mem>>
        %dma_start3A_42 = arith.constant 0 : i32
        %dma_start3A_43 = tpu.memref_slice %arg4[%run_scoped3A_40, %add3A_11, %dma_start3A_42] : memref<4x1048576x4xbf16, #tpu.memory_space<hbm>> -> memref<1x2048x4xbf16, #tpu.memory_space<hbm>>
        %dma_start3A_44 = tpu.memref_squeeze %dma_start3A_43 : memref<1x2048x4xbf16, #tpu.memory_space<hbm>> -> memref<2048x4xbf16, #tpu.memory_space<hbm>>
        %dma_start3A_45 = arith.constant 0 : i32
        %dma_start3A_46 = tpu.memref_slice %arg4[%run_scoped3A_40, %add3A_11, %dma_start3A_45] : memref<4x1048576x4xbf16, #tpu.memory_space<hbm>> -> memref<1x2048x4xbf16, #tpu.memory_space<hbm>>
        %dma_start3A_47 = tpu.memref_squeeze %dma_start3A_46 : memref<1x2048x4xbf16, #tpu.memory_space<hbm>> -> memref<2048x4xbf16, #tpu.memory_space<hbm>>
        tpu.enqueue_dma source(%arg12 : memref<2048x4xbf16, #tpu.memory_space<vmem>>) target(%dma_start3A_47 : memref<2048x4xbf16, #tpu.memory_space<hbm>>) target_semaphore(%run_scoped3A_41 : memref<!tpu.dma_semaphore, #tpu.memory_space<semaphore_mem>>)
        %dma_wait3A_48 = arith.constant 0 : i32
        %dma_wait3A_49 = tpu.memref_slice %arg4[%run_scoped3A_40, %add3A_11, %dma_wait3A_48] : memref<4x1048576x4xbf16, #tpu.memory_space<hbm>> -> memref<1x2048x4xbf16, #tpu.memory_space<hbm>>
        %dma_wait3A_50 = tpu.memref_squeeze %dma_wait3A_49 : memref<1x2048x4xbf16, #tpu.memory_space<hbm>> -> memref<2048x4xbf16, #tpu.memory_space<hbm>>
        %dma_wait3A_51 = arith.constant 0 : i32
        %dma_wait3A_52 = tpu.memref_slice %arg4[%run_scoped3A_40, %add3A_11, %dma_wait3A_51] : memref<4x1048576x4xbf16, #tpu.memory_space<hbm>> -> memref<1x2048x4xbf16, #tpu.memory_space<hbm>>
        %dma_wait3A_53 = tpu.memref_squeeze %dma_wait3A_52 : memref<1x2048x4xbf16, #tpu.memory_space<hbm>> -> memref<2048x4xbf16, #tpu.memory_space<hbm>>
        tpu.wait_dma2 semaphore(%run_scoped3A_41 : memref<!tpu.dma_semaphore, #tpu.memory_space<semaphore_mem>>) src(%arg12 : memref<2048x4xbf16, #tpu.memory_space<vmem>>) dst(%dma_wait3A_53 : memref<2048x4xbf16, #tpu.memory_space<hbm>>)
        tpu.yield
      }) : () -> ()
    }
    %scan3A_5 = arith.constant 16 : i32
    return
  }
}

module attributes {stable_mosaic.version = 14 : i64} {
  func.func @_proj_body(%arg0: i32, %arg1: memref<1x16xf32, #tpu.memory_space<vmem>>, %arg2: memref<3x32x1024xf32, #tpu.memory_space<vmem>>, %arg3: memref<4x32x1024xi32, #tpu.memory_space<vmem>>, %arg4: memref<4x32x1024xf32, #tpu.memory_space<vmem>>) attributes {dimension_semantics = [#tpu.dimension_semantics<arbitrary>], iteration_bounds = array<i64: 32>, scalar_prefetch = 0 : i64, scratch_operands = 0 : i64, tpu.core_type = #tpu.core_type<tc>, window_params = [{pipeline_mode = #tpu.pipeline_mode<synchronous>, transform_indices = @transform_0, window_bounds = array<i64: 1, 16>}, {transform_indices = @transform_1, window_bounds = array<i64: 3, 32, 1024>}, {transform_indices = @transform_2, window_bounds = array<i64: 4, 32, 1024>}, {transform_indices = @transform_3, window_bounds = array<i64: 4, 32, 1024>}]} {
    %get3A = arith.constant 0 : index
    %get3A_0 = arith.constant 0 : index
    %get3A_1 = arith.constant 0 : index
    %get3A_2 = vector.load %arg2[%get3A, %get3A_0, %get3A_1] : memref<3x32x1024xf32, #tpu.memory_space<vmem>>, vector<1x32x1024xf32>
    %get3A_3 = vector.shape_cast %get3A_2 : vector<1x32x1024xf32> to vector<32x1024xf32>
    %get3A_4 = arith.constant 1 : index
    %get3A_5 = arith.constant 0 : index
    %get3A_6 = arith.constant 0 : index
    %get3A_7 = vector.load %arg2[%get3A_4, %get3A_5, %get3A_6] : memref<3x32x1024xf32, #tpu.memory_space<vmem>>, vector<1x32x1024xf32>
    %get3A_8 = vector.shape_cast %get3A_7 : vector<1x32x1024xf32> to vector<32x1024xf32>
    %get3A_9 = arith.constant 2 : index
    %get3A_10 = arith.constant 0 : index
    %get3A_11 = arith.constant 0 : index
    %get3A_12 = vector.load %arg2[%get3A_9, %get3A_10, %get3A_11] : memref<3x32x1024xf32, #tpu.memory_space<vmem>>, vector<1x32x1024xf32>
    %get3A_13 = vector.shape_cast %get3A_12 : vector<1x32x1024xf32> to vector<32x1024xf32>
    %get3A_14 = arith.constant 0 : index
    %get3A_15 = arith.constant 9 : index
    %get3A_16 = vector.load %arg1[%get3A_14, %get3A_15] : memref<1x16xf32, #tpu.memory_space<vmem>>, vector<1x1xf32>
    %get3A_17 = vector.extract %get3A_16[0, 0] : f32 from vector<1x1xf32>
    %get3A_18 = arith.constant 0 : index
    %get3A_19 = arith.constant 10 : index
    %get3A_20 = vector.load %arg1[%get3A_18, %get3A_19] : memref<1x16xf32, #tpu.memory_space<vmem>>, vector<1x1xf32>
    %get3A_21 = vector.extract %get3A_20[0, 0] : f32 from vector<1x1xf32>
    %get3A_22 = arith.constant 0 : index
    %get3A_23 = arith.constant 11 : index
    %get3A_24 = vector.load %arg1[%get3A_22, %get3A_23] : memref<1x16xf32, #tpu.memory_space<vmem>>, vector<1x1xf32>
    %get3A_25 = vector.extract %get3A_24[0, 0] : f32 from vector<1x1xf32>
    %sub3A = vector.broadcast %get3A_17 : f32 to vector<32x1024xf32>
    %sub3A_26 = arith.subf %get3A_3, %sub3A : vector<32x1024xf32>
    %sub3A_27 = vector.broadcast %get3A_21 : f32 to vector<32x1024xf32>
    %sub3A_28 = arith.subf %get3A_8, %sub3A_27 : vector<32x1024xf32>
    %sub3A_29 = vector.broadcast %get3A_25 : f32 to vector<32x1024xf32>
    %sub3A_30 = arith.subf %get3A_13, %sub3A_29 : vector<32x1024xf32>
    %get3A_31 = arith.constant 0 : index
    %get3A_32 = arith.constant 0 : index
    %get3A_33 = vector.load %arg1[%get3A_31, %get3A_32] : memref<1x16xf32, #tpu.memory_space<vmem>>, vector<1x1xf32>
    %get3A_34 = vector.extract %get3A_33[0, 0] : f32 from vector<1x1xf32>
    %mul3A = vector.broadcast %get3A_34 : f32 to vector<32x1024xf32>
    %mul3A_35 = arith.mulf %mul3A, %sub3A_26 : vector<32x1024xf32>
    %get3A_36 = arith.constant 0 : index
    %get3A_37 = arith.constant 1 : index
    %get3A_38 = vector.load %arg1[%get3A_36, %get3A_37] : memref<1x16xf32, #tpu.memory_space<vmem>>, vector<1x1xf32>
    %get3A_39 = vector.extract %get3A_38[0, 0] : f32 from vector<1x1xf32>
    %mul3A_40 = vector.broadcast %get3A_39 : f32 to vector<32x1024xf32>
    %mul3A_41 = arith.mulf %mul3A_40, %sub3A_28 : vector<32x1024xf32>
    %add3A = arith.addf %mul3A_35, %mul3A_41 : vector<32x1024xf32>
    %get3A_42 = arith.constant 0 : index
    %get3A_43 = arith.constant 2 : index
    %get3A_44 = vector.load %arg1[%get3A_42, %get3A_43] : memref<1x16xf32, #tpu.memory_space<vmem>>, vector<1x1xf32>
    %get3A_45 = vector.extract %get3A_44[0, 0] : f32 from vector<1x1xf32>
    %mul3A_46 = vector.broadcast %get3A_45 : f32 to vector<32x1024xf32>
    %mul3A_47 = arith.mulf %mul3A_46, %sub3A_30 : vector<32x1024xf32>
    %add3A_48 = arith.addf %add3A, %mul3A_47 : vector<32x1024xf32>
    %get3A_49 = arith.constant 0 : index
    %get3A_50 = arith.constant 3 : index
    %get3A_51 = vector.load %arg1[%get3A_49, %get3A_50] : memref<1x16xf32, #tpu.memory_space<vmem>>, vector<1x1xf32>
    %get3A_52 = vector.extract %get3A_51[0, 0] : f32 from vector<1x1xf32>
    %mul3A_53 = vector.broadcast %get3A_52 : f32 to vector<32x1024xf32>
    %mul3A_54 = arith.mulf %mul3A_53, %sub3A_26 : vector<32x1024xf32>
    %get3A_55 = arith.constant 0 : index
    %get3A_56 = arith.constant 4 : index
    %get3A_57 = vector.load %arg1[%get3A_55, %get3A_56] : memref<1x16xf32, #tpu.memory_space<vmem>>, vector<1x1xf32>
    %get3A_58 = vector.extract %get3A_57[0, 0] : f32 from vector<1x1xf32>
    %mul3A_59 = vector.broadcast %get3A_58 : f32 to vector<32x1024xf32>
    %mul3A_60 = arith.mulf %mul3A_59, %sub3A_28 : vector<32x1024xf32>
    %add3A_61 = arith.addf %mul3A_54, %mul3A_60 : vector<32x1024xf32>
    %get3A_62 = arith.constant 0 : index
    %get3A_63 = arith.constant 5 : index
    %get3A_64 = vector.load %arg1[%get3A_62, %get3A_63] : memref<1x16xf32, #tpu.memory_space<vmem>>, vector<1x1xf32>
    %get3A_65 = vector.extract %get3A_64[0, 0] : f32 from vector<1x1xf32>
    %mul3A_66 = vector.broadcast %get3A_65 : f32 to vector<32x1024xf32>
    %mul3A_67 = arith.mulf %mul3A_66, %sub3A_30 : vector<32x1024xf32>
    %add3A_68 = arith.addf %add3A_61, %mul3A_67 : vector<32x1024xf32>
    %get3A_69 = arith.constant 0 : index
    %get3A_70 = arith.constant 6 : index
    %get3A_71 = vector.load %arg1[%get3A_69, %get3A_70] : memref<1x16xf32, #tpu.memory_space<vmem>>, vector<1x1xf32>
    %get3A_72 = vector.extract %get3A_71[0, 0] : f32 from vector<1x1xf32>
    %mul3A_73 = vector.broadcast %get3A_72 : f32 to vector<32x1024xf32>
    %mul3A_74 = arith.mulf %mul3A_73, %sub3A_26 : vector<32x1024xf32>
    %get3A_75 = arith.constant 0 : index
    %get3A_76 = arith.constant 7 : index
    %get3A_77 = vector.load %arg1[%get3A_75, %get3A_76] : memref<1x16xf32, #tpu.memory_space<vmem>>, vector<1x1xf32>
    %get3A_78 = vector.extract %get3A_77[0, 0] : f32 from vector<1x1xf32>
    %mul3A_79 = vector.broadcast %get3A_78 : f32 to vector<32x1024xf32>
    %mul3A_80 = arith.mulf %mul3A_79, %sub3A_28 : vector<32x1024xf32>
    %add3A_81 = arith.addf %mul3A_74, %mul3A_80 : vector<32x1024xf32>
    %get3A_82 = arith.constant 0 : index
    %get3A_83 = arith.constant 8 : index
    %get3A_84 = vector.load %arg1[%get3A_82, %get3A_83] : memref<1x16xf32, #tpu.memory_space<vmem>>, vector<1x1xf32>
    %get3A_85 = vector.extract %get3A_84[0, 0] : f32 from vector<1x1xf32>
    %mul3A_86 = vector.broadcast %get3A_85 : f32 to vector<32x1024xf32>
    %mul3A_87 = arith.mulf %mul3A_86, %sub3A_30 : vector<32x1024xf32>
    %add3A_88 = arith.addf %add3A_81, %mul3A_87 : vector<32x1024xf32>
    %mul3A_89 = arith.mulf %add3A_48, %add3A_48 : vector<32x1024xf32>
    %mul3A_90 = arith.mulf %add3A_68, %add3A_68 : vector<32x1024xf32>
    %add3A_91 = arith.addf %mul3A_89, %mul3A_90 : vector<32x1024xf32>
    %sqrt3A = math.sqrt %add3A_91 : vector<32x1024xf32>
    %atan23A = math.atan2 %sqrt3A, %add3A_88 : vector<32x1024xf32>
    %atan23A_92 = math.atan2 %add3A_68, %add3A_48 : vector<32x1024xf32>
    %add3A_93 = arith.constant 3.14159274 : f32
    %add3A_94 = vector.broadcast %add3A_93 : f32 to vector<32x1024xf32>
    %add3A_95 = arith.addf %atan23A_92, %add3A_94 : vector<32x1024xf32>
    %mul3A_96 = arith.constant 0.159154937 : f32
    %mul3A_97 = vector.broadcast %mul3A_96 : f32 to vector<32x1024xf32>
    %mul3A_98 = arith.mulf %add3A_95, %mul3A_97 : vector<32x1024xf32>
    %sub3A_99 = arith.constant 1.000000e+00 : f32
    %sub3A_100 = vector.broadcast %sub3A_99 : f32 to vector<32x1024xf32>
    %sub3A_101 = arith.subf %sub3A_100, %mul3A_98 : vector<32x1024xf32>
    %mul3A_102 = arith.constant 2.000000e+00 : f32
    %mul3A_103 = vector.broadcast %mul3A_102 : f32 to vector<32x1024xf32>
    %mul3A_104 = arith.mulf %mul3A_103, %sub3A_101 : vector<32x1024xf32>
    %sub3A_105 = arith.constant 1.000000e+00 : f32
    %sub3A_106 = vector.broadcast %sub3A_105 : f32 to vector<32x1024xf32>
    %sub3A_107 = arith.subf %mul3A_104, %sub3A_106 : vector<32x1024xf32>
    %mul3A_108 = arith.constant 0.318309873 : f32
    %mul3A_109 = vector.broadcast %mul3A_108 : f32 to vector<32x1024xf32>
    %mul3A_110 = arith.mulf %atan23A, %mul3A_109 : vector<32x1024xf32>
    %mul3A_111 = arith.constant 2.000000e+00 : f32
    %mul3A_112 = vector.broadcast %mul3A_111 : f32 to vector<32x1024xf32>
    %mul3A_113 = arith.mulf %mul3A_112, %mul3A_110 : vector<32x1024xf32>
    %sub3A_114 = arith.constant 1.000000e+00 : f32
    %sub3A_115 = vector.broadcast %sub3A_114 : f32 to vector<32x1024xf32>
    %sub3A_116 = arith.subf %mul3A_113, %sub3A_115 : vector<32x1024xf32>
    %add3A_117 = arith.constant 1.000000e+00 : f32
    %add3A_118 = vector.broadcast %add3A_117 : f32 to vector<32x1024xf32>
    %add3A_119 = arith.addf %sub3A_107, %add3A_118 : vector<32x1024xf32>
    %mul3A_120 = arith.constant 1.024000e+03 : f32
    %mul3A_121 = vector.broadcast %mul3A_120 : f32 to vector<32x1024xf32>
    %mul3A_122 = arith.mulf %add3A_119, %mul3A_121 : vector<32x1024xf32>
    %sub3A_123 = arith.constant 5.000000e-01 : f32
    %sub3A_124 = vector.broadcast %sub3A_123 : f32 to vector<32x1024xf32>
    %sub3A_125 = arith.subf %mul3A_122, %sub3A_124 : vector<32x1024xf32>
    %add3A_126 = arith.constant 1.000000e+00 : f32
    %add3A_127 = vector.broadcast %add3A_126 : f32 to vector<32x1024xf32>
    %add3A_128 = arith.addf %sub3A_116, %add3A_127 : vector<32x1024xf32>
    %mul3A_129 = arith.constant 5.120000e+02 : f32
    %mul3A_130 = vector.broadcast %mul3A_129 : f32 to vector<32x1024xf32>
    %mul3A_131 = arith.mulf %add3A_128, %mul3A_130 : vector<32x1024xf32>
    %sub3A_132 = arith.constant 5.000000e-01 : f32
    %sub3A_133 = vector.broadcast %sub3A_132 : f32 to vector<32x1024xf32>
    %sub3A_134 = arith.subf %mul3A_131, %sub3A_133 : vector<32x1024xf32>
    %floor3A = math.floor %sub3A_125 : vector<32x1024xf32>
    %floor3A_135 = math.floor %sub3A_134 : vector<32x1024xf32>
    %sub3A_136 = arith.subf %sub3A_125, %floor3A : vector<32x1024xf32>
    %sub3A_137 = arith.constant 1.000000e+00 : f32
    %sub3A_138 = vector.broadcast %sub3A_137 : f32 to vector<32x1024xf32>
    %sub3A_139 = arith.subf %sub3A_138, %sub3A_136 : vector<32x1024xf32>
    %sub3A_140 = arith.subf %sub3A_134, %floor3A_135 : vector<32x1024xf32>
    %sub3A_141 = arith.constant 1.000000e+00 : f32
    %sub3A_142 = vector.broadcast %sub3A_141 : f32 to vector<32x1024xf32>
    %sub3A_143 = arith.subf %sub3A_142, %sub3A_140 : vector<32x1024xf32>
    %mul3A_144 = arith.constant 32 : i32
    %mul3A_145 = arith.muli %arg0, %mul3A_144 : i32
    %iota3A = tpu.iota {dimensions = array<i32: 0>} : vector<32x1024xi32>
    %add3A_146 = vector.broadcast %mul3A_145 : i32 to vector<32x1024xi32>
    %add3A_147 = arith.addi %add3A_146, %iota3A : vector<32x1024xi32>
    %mul3A_148 = arith.constant 1024 : i32
    %mul3A_149 = vector.broadcast %mul3A_148 : i32 to vector<32x1024xi32>
    %mul3A_150 = arith.muli %add3A_147, %mul3A_149 : vector<32x1024xi32>
    %iota3A_151 = tpu.iota {dimensions = array<i32: 1>} : vector<32x1024xi32>
    %add3A_152 = arith.addi %mul3A_150, %iota3A_151 : vector<32x1024xi32>
    %lt3A = arith.constant 1000000 : i32
    %lt3A_153 = vector.broadcast %lt3A : i32 to vector<32x1024xi32>
    %lt3A_154 = arith.cmpi slt, %add3A_152, %lt3A_153 : vector<32x1024xi32>
    %mul3A_155 = arith.mulf %sub3A_139, %sub3A_143 : vector<32x1024xf32>
    %add3A_156 = arith.constant 1.000000e+00 : f32
    %add3A_157 = vector.broadcast %add3A_156 : f32 to vector<32x1024xf32>
    %add3A_158 = arith.addf %floor3A, %add3A_157 : vector<32x1024xf32>
    %mul3A_159 = arith.mulf %sub3A_136, %sub3A_143 : vector<32x1024xf32>
    %add3A_160 = arith.constant 1.000000e+00 : f32
    %add3A_161 = vector.broadcast %add3A_160 : f32 to vector<32x1024xf32>
    %add3A_162 = arith.addf %floor3A_135, %add3A_161 : vector<32x1024xf32>
    %mul3A_163 = arith.mulf %sub3A_139, %sub3A_140 : vector<32x1024xf32>
    %add3A_164 = arith.constant 1.000000e+00 : f32
    %add3A_165 = vector.broadcast %add3A_164 : f32 to vector<32x1024xf32>
    %add3A_166 = arith.addf %floor3A, %add3A_165 : vector<32x1024xf32>
    %add3A_167 = arith.constant 1.000000e+00 : f32
    %add3A_168 = vector.broadcast %add3A_167 : f32 to vector<32x1024xf32>
    %add3A_169 = arith.addf %floor3A_135, %add3A_168 : vector<32x1024xf32>
    %mul3A_170 = arith.mulf %sub3A_136, %sub3A_140 : vector<32x1024xf32>
    %ge3A = arith.constant 0.000000e+00 : f32
    %ge3A_171 = vector.broadcast %ge3A : f32 to vector<32x1024xf32>
    %ge3A_172 = arith.cmpf oge, %floor3A, %ge3A_171 : vector<32x1024xf32>
    %le3A = arith.constant 2.047000e+03 : f32
    %le3A_173 = vector.broadcast %le3A : f32 to vector<32x1024xf32>
    %le3A_174 = arith.cmpf ole, %floor3A, %le3A_173 : vector<32x1024xf32>
    %and3A = arith.andi %ge3A_172, %le3A_174 : vector<32x1024xi1>
    %ge3A_175 = arith.constant 0.000000e+00 : f32
    %ge3A_176 = vector.broadcast %ge3A_175 : f32 to vector<32x1024xf32>
    %ge3A_177 = arith.cmpf oge, %floor3A_135, %ge3A_176 : vector<32x1024xf32>
    %and3A_178 = arith.andi %and3A, %ge3A_177 : vector<32x1024xi1>
    %le3A_179 = arith.constant 1.023000e+03 : f32
    %le3A_180 = vector.broadcast %le3A_179 : f32 to vector<32x1024xf32>
    %le3A_181 = arith.cmpf ole, %floor3A_135, %le3A_180 : vector<32x1024xf32>
    %and3A_182 = arith.andi %and3A_178, %le3A_181 : vector<32x1024xi1>
    %and3A_183 = arith.andi %and3A_182, %lt3A_154 : vector<32x1024xi1>
    %jit3A = arith.constant 0.000000e+00 : f32
    %jit3A_184 = arith.constant 2.047000e+03 : f32
    %max3A = vector.broadcast %jit3A : f32 to vector<32x1024xf32>
    %max3A_185 = arith.maximumf %max3A, %floor3A : vector<32x1024xf32>
    %min3A = vector.broadcast %jit3A_184 : f32 to vector<32x1024xf32>
    %min3A_186 = arith.minimumf %min3A, %max3A_185 : vector<32x1024xf32>
    %convert_element_type3A = arith.fptosi %min3A_186 : vector<32x1024xf32> to vector<32x1024xi32>
    %jit3A_187 = arith.constant 0.000000e+00 : f32
    %jit3A_188 = arith.constant 1.023000e+03 : f32
    %max3A_189 = vector.broadcast %jit3A_187 : f32 to vector<32x1024xf32>
    %max3A_190 = arith.maximumf %max3A_189, %floor3A_135 : vector<32x1024xf32>
    %min3A_191 = vector.broadcast %jit3A_188 : f32 to vector<32x1024xf32>
    %min3A_192 = arith.minimumf %min3A_191, %max3A_190 : vector<32x1024xf32>
    %convert_element_type3A_193 = arith.fptosi %min3A_192 : vector<32x1024xf32> to vector<32x1024xi32>
    %mul3A_194 = arith.constant 2048 : i32
    %mul3A_195 = vector.broadcast %mul3A_194 : i32 to vector<32x1024xi32>
    %mul3A_196 = arith.muli %convert_element_type3A_193, %mul3A_195 : vector<32x1024xi32>
    %add3A_197 = arith.addi %mul3A_196, %convert_element_type3A : vector<32x1024xi32>
    %jit3A_198 = arith.constant 2097152 : i32
    %broadcast_in_dim3A = vector.broadcast %jit3A_198 : i32 to vector<32x1024xi32>
    %select_n3A = arith.select %and3A_183, %add3A_197, %broadcast_in_dim3A : vector<32x1024xi1>, vector<32x1024xi32>
    %swap3A = arith.constant 0 : index
    %swap3A_199 = arith.constant 0 : index
    %swap3A_200 = arith.constant 0 : index
    %swap3A_201 = vector.load %arg3[%swap3A, %swap3A_199, %swap3A_200] : memref<4x32x1024xi32, #tpu.memory_space<vmem>>, vector<1x32x1024xi32>
    %swap3A_202 = vector.shape_cast %swap3A_201 : vector<1x32x1024xi32> to vector<32x1024xi32>
    %swap3A_203 = vector.shape_cast %select_n3A : vector<32x1024xi32> to vector<1x32x1024xi32>
    tpu.vector_store %arg3[%swap3A, %swap3A_199, %swap3A_200], %swap3A_203 {strides = array<i32>} : memref<4x32x1024xi32, #tpu.memory_space<vmem>>, vector<1x32x1024xi32>,
    %swap3A_204 = arith.constant 0 : index
    %swap3A_205 = arith.constant 0 : index
    %swap3A_206 = arith.constant 0 : index
    %swap3A_207 = vector.load %arg4[%swap3A_204, %swap3A_205, %swap3A_206] : memref<4x32x1024xf32, #tpu.memory_space<vmem>>, vector<1x32x1024xf32>
    %swap3A_208 = vector.shape_cast %swap3A_207 : vector<1x32x1024xf32> to vector<32x1024xf32>
    %swap3A_209 = vector.shape_cast %mul3A_155 : vector<32x1024xf32> to vector<1x32x1024xf32>
    tpu.vector_store %arg4[%swap3A_204, %swap3A_205, %swap3A_206], %swap3A_209 {strides = array<i32>} : memref<4x32x1024xf32, #tpu.memory_space<vmem>>, vector<1x32x1024xf32>,
    %ge3A_210 = arith.constant 0.000000e+00 : f32
    %ge3A_211 = vector.broadcast %ge3A_210 : f32 to vector<32x1024xf32>
    %ge3A_212 = arith.cmpf oge, %add3A_158, %ge3A_211 : vector<32x1024xf32>
    %le3A_213 = arith.constant 2.047000e+03 : f32
    %le3A_214 = vector.broadcast %le3A_213 : f32 to vector<32x1024xf32>
    %le3A_215 = arith.cmpf ole, %add3A_158, %le3A_214 : vector<32x1024xf32>
    %and3A_216 = arith.andi %ge3A_212, %le3A_215 : vector<32x1024xi1>
    %ge3A_217 = arith.constant 0.000000e+00 : f32
    %ge3A_218 = vector.broadcast %ge3A_217 : f32 to vector<32x1024xf32>
    %ge3A_219 = arith.cmpf oge, %floor3A_135, %ge3A_218 : vector<32x1024xf32>
    %and3A_220 = arith.andi %and3A_216, %ge3A_219 : vector<32x1024xi1>
    %le3A_221 = arith.constant 1.023000e+03 : f32
    %le3A_222 = vector.broadcast %le3A_221 : f32 to vector<32x1024xf32>
    %le3A_223 = arith.cmpf ole, %floor3A_135, %le3A_222 : vector<32x1024xf32>
    %and3A_224 = arith.andi %and3A_220, %le3A_223 : vector<32x1024xi1>
    %and3A_225 = arith.andi %and3A_224, %lt3A_154 : vector<32x1024xi1>
    %jit3A_226 = arith.constant 0.000000e+00 : f32
    %jit3A_227 = arith.constant 2.047000e+03 : f32
    %max3A_228 = vector.broadcast %jit3A_226 : f32 to vector<32x1024xf32>
    %max3A_229 = arith.maximumf %max3A_228, %add3A_158 : vector<32x1024xf32>
    %min3A_230 = vector.broadcast %jit3A_227 : f32 to vector<32x1024xf32>
    %min3A_231 = arith.minimumf %min3A_230, %max3A_229 : vector<32x1024xf32>
    %convert_element_type3A_232 = arith.fptosi %min3A_231 : vector<32x1024xf32> to vector<32x1024xi32>
    %jit3A_233 = arith.constant 0.000000e+00 : f32
    %jit3A_234 = arith.constant 1.023000e+03 : f32
    %max3A_235 = vector.broadcast %jit3A_233 : f32 to vector<32x1024xf32>
    %max3A_236 = arith.maximumf %max3A_235, %floor3A_135 : vector<32x1024xf32>
    %min3A_237 = vector.broadcast %jit3A_234 : f32 to vector<32x1024xf32>
    %min3A_238 = arith.minimumf %min3A_237, %max3A_236 : vector<32x1024xf32>
    %convert_element_type3A_239 = arith.fptosi %min3A_238 : vector<32x1024xf32> to vector<32x1024xi32>
    %mul3A_240 = arith.constant 2048 : i32
    %mul3A_241 = vector.broadcast %mul3A_240 : i32 to vector<32x1024xi32>
    %mul3A_242 = arith.muli %convert_element_type3A_239, %mul3A_241 : vector<32x1024xi32>
    %add3A_243 = arith.addi %mul3A_242, %convert_element_type3A_232 : vector<32x1024xi32>
    %jit3A_244 = arith.constant 2097152 : i32
    %broadcast_in_dim3A_245 = vector.broadcast %jit3A_244 : i32 to vector<32x1024xi32>
    %select_n3A_246 = arith.select %and3A_225, %add3A_243, %broadcast_in_dim3A_245 : vector<32x1024xi1>, vector<32x1024xi32>
    %swap3A_247 = arith.constant 1 : index
    %swap3A_248 = arith.constant 0 : index
    %swap3A_249 = arith.constant 0 : index
    %swap3A_250 = vector.load %arg3[%swap3A_247, %swap3A_248, %swap3A_249] : memref<4x32x1024xi32, #tpu.memory_space<vmem>>, vector<1x32x1024xi32>
    %swap3A_251 = vector.shape_cast %swap3A_250 : vector<1x32x1024xi32> to vector<32x1024xi32>
    %swap3A_252 = vector.shape_cast %select_n3A_246 : vector<32x1024xi32> to vector<1x32x1024xi32>
    tpu.vector_store %arg3[%swap3A_247, %swap3A_248, %swap3A_249], %swap3A_252 {strides = array<i32>} : memref<4x32x1024xi32, #tpu.memory_space<vmem>>, vector<1x32x1024xi32>,
    %swap3A_253 = arith.constant 1 : index
    %swap3A_254 = arith.constant 0 : index
    %swap3A_255 = arith.constant 0 : index
    %swap3A_256 = vector.load %arg4[%swap3A_253, %swap3A_254, %swap3A_255] : memref<4x32x1024xf32, #tpu.memory_space<vmem>>, vector<1x32x1024xf32>
    %swap3A_257 = vector.shape_cast %swap3A_256 : vector<1x32x1024xf32> to vector<32x1024xf32>
    %swap3A_258 = vector.shape_cast %mul3A_159 : vector<32x1024xf32> to vector<1x32x1024xf32>
    tpu.vector_store %arg4[%swap3A_253, %swap3A_254, %swap3A_255], %swap3A_258 {strides = array<i32>} : memref<4x32x1024xf32, #tpu.memory_space<vmem>>, vector<1x32x1024xf32>,
    %ge3A_259 = arith.constant 0.000000e+00 : f32
    %ge3A_260 = vector.broadcast %ge3A_259 : f32 to vector<32x1024xf32>
    %ge3A_261 = arith.cmpf oge, %floor3A, %ge3A_260 : vector<32x1024xf32>
    %le3A_262 = arith.constant 2.047000e+03 : f32
    %le3A_263 = vector.broadcast %le3A_262 : f32 to vector<32x1024xf32>
    %le3A_264 = arith.cmpf ole, %floor3A, %le3A_263 : vector<32x1024xf32>
    %and3A_265 = arith.andi %ge3A_261, %le3A_264 : vector<32x1024xi1>
    %ge3A_266 = arith.constant 0.000000e+00 : f32
    %ge3A_267 = vector.broadcast %ge3A_266 : f32 to vector<32x1024xf32>
    %ge3A_268 = arith.cmpf oge, %add3A_162, %ge3A_267 : vector<32x1024xf32>
    %and3A_269 = arith.andi %and3A_265, %ge3A_268 : vector<32x1024xi1>
    %le3A_270 = arith.constant 1.023000e+03 : f32
    %le3A_271 = vector.broadcast %le3A_270 : f32 to vector<32x1024xf32>
    %le3A_272 = arith.cmpf ole, %add3A_162, %le3A_271 : vector<32x1024xf32>
    %and3A_273 = arith.andi %and3A_269, %le3A_272 : vector<32x1024xi1>
    %and3A_274 = arith.andi %and3A_273, %lt3A_154 : vector<32x1024xi1>
    %jit3A_275 = arith.constant 0.000000e+00 : f32
    %jit3A_276 = arith.constant 2.047000e+03 : f32
    %max3A_277 = vector.broadcast %jit3A_275 : f32 to vector<32x1024xf32>
    %max3A_278 = arith.maximumf %max3A_277, %floor3A : vector<32x1024xf32>
    %min3A_279 = vector.broadcast %jit3A_276 : f32 to vector<32x1024xf32>
    %min3A_280 = arith.minimumf %min3A_279, %max3A_278 : vector<32x1024xf32>
    %convert_element_type3A_281 = arith.fptosi %min3A_280 : vector<32x1024xf32> to vector<32x1024xi32>
    %jit3A_282 = arith.constant 0.000000e+00 : f32
    %jit3A_283 = arith.constant 1.023000e+03 : f32
    %max3A_284 = vector.broadcast %jit3A_282 : f32 to vector<32x1024xf32>
    %max3A_285 = arith.maximumf %max3A_284, %add3A_162 : vector<32x1024xf32>
    %min3A_286 = vector.broadcast %jit3A_283 : f32 to vector<32x1024xf32>
    %min3A_287 = arith.minimumf %min3A_286, %max3A_285 : vector<32x1024xf32>
    %convert_element_type3A_288 = arith.fptosi %min3A_287 : vector<32x1024xf32> to vector<32x1024xi32>
    %mul3A_289 = arith.constant 2048 : i32
    %mul3A_290 = vector.broadcast %mul3A_289 : i32 to vector<32x1024xi32>
    %mul3A_291 = arith.muli %convert_element_type3A_288, %mul3A_290 : vector<32x1024xi32>
    %add3A_292 = arith.addi %mul3A_291, %convert_element_type3A_281 : vector<32x1024xi32>
    %jit3A_293 = arith.constant 2097152 : i32
    %broadcast_in_dim3A_294 = vector.broadcast %jit3A_293 : i32 to vector<32x1024xi32>
    %select_n3A_295 = arith.select %and3A_274, %add3A_292, %broadcast_in_dim3A_294 : vector<32x1024xi1>, vector<32x1024xi32>
    %swap3A_296 = arith.constant 2 : index
    %swap3A_297 = arith.constant 0 : index
    %swap3A_298 = arith.constant 0 : index
    %swap3A_299 = vector.load %arg3[%swap3A_296, %swap3A_297, %swap3A_298] : memref<4x32x1024xi32, #tpu.memory_space<vmem>>, vector<1x32x1024xi32>
    %swap3A_300 = vector.shape_cast %swap3A_299 : vector<1x32x1024xi32> to vector<32x1024xi32>
    %swap3A_301 = vector.shape_cast %select_n3A_295 : vector<32x1024xi32> to vector<1x32x1024xi32>
    tpu.vector_store %arg3[%swap3A_296, %swap3A_297, %swap3A_298], %swap3A_301 {strides = array<i32>} : memref<4x32x1024xi32, #tpu.memory_space<vmem>>, vector<1x32x1024xi32>,
    %swap3A_302 = arith.constant 2 : index
    %swap3A_303 = arith.constant 0 : index
    %swap3A_304 = arith.constant 0 : index
    %swap3A_305 = vector.load %arg4[%swap3A_302, %swap3A_303, %swap3A_304] : memref<4x32x1024xf32, #tpu.memory_space<vmem>>, vector<1x32x1024xf32>
    %swap3A_306 = vector.shape_cast %swap3A_305 : vector<1x32x1024xf32> to vector<32x1024xf32>
    %swap3A_307 = vector.shape_cast %mul3A_163 : vector<32x1024xf32> to vector<1x32x1024xf32>
    tpu.vector_store %arg4[%swap3A_302, %swap3A_303, %swap3A_304], %swap3A_307 {strides = array<i32>} : memref<4x32x1024xf32, #tpu.memory_space<vmem>>, vector<1x32x1024xf32>,
    %ge3A_308 = arith.constant 0.000000e+00 : f32
    %ge3A_309 = vector.broadcast %ge3A_308 : f32 to vector<32x1024xf32>
    %ge3A_310 = arith.cmpf oge, %add3A_166, %ge3A_309 : vector<32x1024xf32>
    %le3A_311 = arith.constant 2.047000e+03 : f32
    %le3A_312 = vector.broadcast %le3A_311 : f32 to vector<32x1024xf32>
    %le3A_313 = arith.cmpf ole, %add3A_166, %le3A_312 : vector<32x1024xf32>
    %and3A_314 = arith.andi %ge3A_310, %le3A_313 : vector<32x1024xi1>
    %ge3A_315 = arith.constant 0.000000e+00 : f32
    %ge3A_316 = vector.broadcast %ge3A_315 : f32 to vector<32x1024xf32>
    %ge3A_317 = arith.cmpf oge, %add3A_169, %ge3A_316 : vector<32x1024xf32>
    %and3A_318 = arith.andi %and3A_314, %ge3A_317 : vector<32x1024xi1>
    %le3A_319 = arith.constant 1.023000e+03 : f32
    %le3A_320 = vector.broadcast %le3A_319 : f32 to vector<32x1024xf32>
    %le3A_321 = arith.cmpf ole, %add3A_169, %le3A_320 : vector<32x1024xf32>
    %and3A_322 = arith.andi %and3A_318, %le3A_321 : vector<32x1024xi1>
    %and3A_323 = arith.andi %and3A_322, %lt3A_154 : vector<32x1024xi1>
    %jit3A_324 = arith.constant 0.000000e+00 : f32
    %jit3A_325 = arith.constant 2.047000e+03 : f32
    %max3A_326 = vector.broadcast %jit3A_324 : f32 to vector<32x1024xf32>
    %max3A_327 = arith.maximumf %max3A_326, %add3A_166 : vector<32x1024xf32>
    %min3A_328 = vector.broadcast %jit3A_325 : f32 to vector<32x1024xf32>
    %min3A_329 = arith.minimumf %min3A_328, %max3A_327 : vector<32x1024xf32>
    %convert_element_type3A_330 = arith.fptosi %min3A_329 : vector<32x1024xf32> to vector<32x1024xi32>
    %jit3A_331 = arith.constant 0.000000e+00 : f32
    %jit3A_332 = arith.constant 1.023000e+03 : f32
    %max3A_333 = vector.broadcast %jit3A_331 : f32 to vector<32x1024xf32>
    %max3A_334 = arith.maximumf %max3A_333, %add3A_169 : vector<32x1024xf32>
    %min3A_335 = vector.broadcast %jit3A_332 : f32 to vector<32x1024xf32>
    %min3A_336 = arith.minimumf %min3A_335, %max3A_334 : vector<32x1024xf32>
    %convert_element_type3A_337 = arith.fptosi %min3A_336 : vector<32x1024xf32> to vector<32x1024xi32>
    %mul3A_338 = arith.constant 2048 : i32
    %mul3A_339 = vector.broadcast %mul3A_338 : i32 to vector<32x1024xi32>
    %mul3A_340 = arith.muli %convert_element_type3A_337, %mul3A_339 : vector<32x1024xi32>
    %add3A_341 = arith.addi %mul3A_340, %convert_element_type3A_330 : vector<32x1024xi32>
    %jit3A_342 = arith.constant 2097152 : i32
    %broadcast_in_dim3A_343 = vector.broadcast %jit3A_342 : i32 to vector<32x1024xi32>
    %select_n3A_344 = arith.select %and3A_323, %add3A_341, %broadcast_in_dim3A_343 : vector<32x1024xi1>, vector<32x1024xi32>
    %swap3A_345 = arith.constant 3 : index
    %swap3A_346 = arith.constant 0 : index
    %swap3A_347 = arith.constant 0 : index
    %swap3A_348 = vector.load %arg3[%swap3A_345, %swap3A_346, %swap3A_347] : memref<4x32x1024xi32, #tpu.memory_space<vmem>>, vector<1x32x1024xi32>
    %swap3A_349 = vector.shape_cast %swap3A_348 : vector<1x32x1024xi32> to vector<32x1024xi32>
    %swap3A_350 = vector.shape_cast %select_n3A_344 : vector<32x1024xi32> to vector<1x32x1024xi32>
    tpu.vector_store %arg3[%swap3A_345, %swap3A_346, %swap3A_347], %swap3A_350 {strides = array<i32>} : memref<4x32x1024xi32, #tpu.memory_space<vmem>>, vector<1x32x1024xi32>,
    %swap3A_351 = arith.constant 3 : index
    %swap3A_352 = arith.constant 0 : index
    %swap3A_353 = arith.constant 0 : index
    %swap3A_354 = vector.load %arg4[%swap3A_351, %swap3A_352, %swap3A_353] : memref<4x32x1024xf32, #tpu.memory_space<vmem>>, vector<1x32x1024xf32>
    %swap3A_355 = vector.shape_cast %swap3A_354 : vector<1x32x1024xf32> to vector<32x1024xf32>
    %swap3A_356 = vector.shape_cast %mul3A_170 : vector<32x1024xf32> to vector<1x32x1024xf32>
    tpu.vector_store %arg4[%swap3A_351, %swap3A_352, %swap3A_353], %swap3A_356 {strides = array<i32>} : memref<4x32x1024xf32, #tpu.memory_space<vmem>>, vector<1x32x1024xf32>,
    return
  }
  func.func @transform_0(%arg0: i32) -> (i32, i32) {
    %c0_i32 = arith.constant 0 : i32
    %c0_i32_0 = arith.constant 0 : i32
    %c0_i32_1 = arith.constant 0 : i32
    return %c0_i32, %c0_i32_0 : i32, i32
  }
  func.func @transform_1(%arg0: i32) -> (i32, i32, i32) {
    %c0_i32 = arith.constant 0 : i32
    %c0_i32_0 = arith.constant 0 : i32
    %c0_i32_1 = arith.constant 0 : i32
    return %c0_i32, %arg0, %c0_i32_0 : i32, i32, i32
  }
  func.func @transform_2(%arg0: i32) -> (i32, i32, i32) {
    %c0_i32 = arith.constant 0 : i32
    %c0_i32_0 = arith.constant 0 : i32
    %c0_i32_1 = arith.constant 0 : i32
    return %c0_i32, %arg0, %c0_i32_0 : i32, i32, i32
  }
  func.func @transform_3(%arg0: i32) -> (i32, i32, i32) {
    %c0_i32 = arith.constant 0 : i32
    %c0_i32_0 = arith.constant 0 : i32
    %c0_i32_1 = arith.constant 0 : i32
    return %c0_i32, %arg0, %c0_i32_0 : i32, i32, i32
  }
}

module attributes {stable_mosaic.version = 14 : i64} {
  func.func @_loss_body(%arg0: i32, %arg1: memref<4x32x1024xbf16, #tpu.memory_space<vmem>>, %arg2: memref<4x32x1024xbf16, #tpu.memory_space<vmem>>, %arg3: memref<4x32x1024xbf16, #tpu.memory_space<vmem>>, %arg4: memref<4x32x1024xbf16, #tpu.memory_space<vmem>>, %arg5: memref<4x32x1024xf32, #tpu.memory_space<vmem>>, %arg6: memref<3x32x1024xf32, #tpu.memory_space<vmem>>, %arg7: memref<32x1024xf32, #tpu.memory_space<vmem>>, %arg8: memref<1x1024xf32, #tpu.memory_space<vmem>>, %arg9: memref<1x1024xf32, #tpu.memory_space<vmem>>) attributes {dimension_semantics = [#tpu.dimension_semantics<arbitrary>], iteration_bounds = array<i64: 32>, scalar_prefetch = 0 : i64, scratch_operands = 0 : i64, tpu.core_type = #tpu.core_type<tc>, window_params = [{transform_indices = @transform_0, window_bounds = array<i64: 4, 32, 1024>}, {transform_indices = @transform_1, window_bounds = array<i64: 4, 32, 1024>}, {transform_indices = @transform_2, window_bounds = array<i64: 4, 32, 1024>}, {transform_indices = @transform_3, window_bounds = array<i64: 4, 32, 1024>}, {transform_indices = @transform_4, window_bounds = array<i64: 4, 32, 1024>}, {transform_indices = @transform_5, window_bounds = array<i64: 3, 32, 1024>}, {transform_indices = @transform_6, window_bounds = array<i64: 32, 1024>}, {pipeline_mode = #tpu.pipeline_mode<synchronous>, transform_indices = @transform_7, window_bounds = array<i64: 1, 1024>}, {pipeline_mode = #tpu.pipeline_mode<synchronous>, transform_indices = @transform_8, window_bounds = array<i64: 1, 1024>}]} {
    %get3A = arith.constant 0 : index
    %get3A_0 = arith.constant 0 : index
    %get3A_1 = arith.constant 0 : index
    %get3A_2 = vector.load %arg5[%get3A, %get3A_0, %get3A_1] : memref<4x32x1024xf32, #tpu.memory_space<vmem>>, vector<1x32x1024xf32>
    %get3A_3 = vector.shape_cast %get3A_2 : vector<1x32x1024xf32> to vector<32x1024xf32>
    %get3A_4 = arith.constant 1 : index
    %get3A_5 = arith.constant 0 : index
    %get3A_6 = arith.constant 0 : index
    %get3A_7 = vector.load %arg5[%get3A_4, %get3A_5, %get3A_6] : memref<4x32x1024xf32, #tpu.memory_space<vmem>>, vector<1x32x1024xf32>
    %get3A_8 = vector.shape_cast %get3A_7 : vector<1x32x1024xf32> to vector<32x1024xf32>
    %get3A_9 = arith.constant 2 : index
    %get3A_10 = arith.constant 0 : index
    %get3A_11 = arith.constant 0 : index
    %get3A_12 = vector.load %arg5[%get3A_9, %get3A_10, %get3A_11] : memref<4x32x1024xf32, #tpu.memory_space<vmem>>, vector<1x32x1024xf32>
    %get3A_13 = vector.shape_cast %get3A_12 : vector<1x32x1024xf32> to vector<32x1024xf32>
    %get3A_14 = arith.constant 3 : index
    %get3A_15 = arith.constant 0 : index
    %get3A_16 = arith.constant 0 : index
    %get3A_17 = vector.load %arg5[%get3A_14, %get3A_15, %get3A_16] : memref<4x32x1024xf32, #tpu.memory_space<vmem>>, vector<1x32x1024xf32>
    %get3A_18 = vector.shape_cast %get3A_17 : vector<1x32x1024xf32> to vector<32x1024xf32>
    %get3A_19 = arith.constant 0 : index
    %get3A_20 = arith.constant 0 : index
    %get3A_21 = arith.constant 0 : index
    %get3A_22 = vector.load %arg1[%get3A_19, %get3A_20, %get3A_21] : memref<4x32x1024xbf16, #tpu.memory_space<vmem>>, vector<1x32x1024xbf16>
    %get3A_23 = vector.shape_cast %get3A_22 : vector<1x32x1024xbf16> to vector<32x1024xbf16>
    %convert_element_type3A = arith.extf %get3A_23 : vector<32x1024xbf16> to vector<32x1024xf32>
    %mul3A = arith.mulf %convert_element_type3A, %get3A_3 : vector<32x1024xf32>
    %get3A_24 = arith.constant 1 : index
    %get3A_25 = arith.constant 0 : index
    %get3A_26 = arith.constant 0 : index
    %get3A_27 = vector.load %arg1[%get3A_24, %get3A_25, %get3A_26] : memref<4x32x1024xbf16, #tpu.memory_space<vmem>>, vector<1x32x1024xbf16>
    %get3A_28 = vector.shape_cast %get3A_27 : vector<1x32x1024xbf16> to vector<32x1024xbf16>
    %convert_element_type3A_29 = arith.extf %get3A_28 : vector<32x1024xbf16> to vector<32x1024xf32>
    %mul3A_30 = arith.mulf %convert_element_type3A_29, %get3A_8 : vector<32x1024xf32>
    %add3A = arith.addf %mul3A, %mul3A_30 : vector<32x1024xf32>
    %get3A_31 = arith.constant 2 : index
    %get3A_32 = arith.constant 0 : index
    %get3A_33 = arith.constant 0 : index
    %get3A_34 = vector.load %arg1[%get3A_31, %get3A_32, %get3A_33] : memref<4x32x1024xbf16, #tpu.memory_space<vmem>>, vector<1x32x1024xbf16>
    %get3A_35 = vector.shape_cast %get3A_34 : vector<1x32x1024xbf16> to vector<32x1024xbf16>
    %convert_element_type3A_36 = arith.extf %get3A_35 : vector<32x1024xbf16> to vector<32x1024xf32>
    %mul3A_37 = arith.mulf %convert_element_type3A_36, %get3A_13 : vector<32x1024xf32>
    %add3A_38 = arith.addf %add3A, %mul3A_37 : vector<32x1024xf32>
    %get3A_39 = arith.constant 3 : index
    %get3A_40 = arith.constant 0 : index
    %get3A_41 = arith.constant 0 : index
    %get3A_42 = vector.load %arg1[%get3A_39, %get3A_40, %get3A_41] : memref<4x32x1024xbf16, #tpu.memory_space<vmem>>, vector<1x32x1024xbf16>
    %get3A_43 = vector.shape_cast %get3A_42 : vector<1x32x1024xbf16> to vector<32x1024xbf16>
    %convert_element_type3A_44 = arith.extf %get3A_43 : vector<32x1024xbf16> to vector<32x1024xf32>
    %mul3A_45 = arith.mulf %convert_element_type3A_44, %get3A_18 : vector<32x1024xf32>
    %add3A_46 = arith.addf %add3A_38, %mul3A_45 : vector<32x1024xf32>
    %get3A_47 = arith.constant 0 : index
    %get3A_48 = arith.constant 0 : index
    %get3A_49 = arith.constant 0 : index
    %get3A_50 = vector.load %arg2[%get3A_47, %get3A_48, %get3A_49] : memref<4x32x1024xbf16, #tpu.memory_space<vmem>>, vector<1x32x1024xbf16>
    %get3A_51 = vector.shape_cast %get3A_50 : vector<1x32x1024xbf16> to vector<32x1024xbf16>
    %convert_element_type3A_52 = arith.extf %get3A_51 : vector<32x1024xbf16> to vector<32x1024xf32>
    %mul3A_53 = arith.mulf %convert_element_type3A_52, %get3A_3 : vector<32x1024xf32>
    %get3A_54 = arith.constant 1 : index
    %get3A_55 = arith.constant 0 : index
    %get3A_56 = arith.constant 0 : index
    %get3A_57 = vector.load %arg2[%get3A_54, %get3A_55, %get3A_56] : memref<4x32x1024xbf16, #tpu.memory_space<vmem>>, vector<1x32x1024xbf16>
    %get3A_58 = vector.shape_cast %get3A_57 : vector<1x32x1024xbf16> to vector<32x1024xbf16>
    %convert_element_type3A_59 = arith.extf %get3A_58 : vector<32x1024xbf16> to vector<32x1024xf32>
    %mul3A_60 = arith.mulf %convert_element_type3A_59, %get3A_8 : vector<32x1024xf32>
    %add3A_61 = arith.addf %mul3A_53, %mul3A_60 : vector<32x1024xf32>
    %get3A_62 = arith.constant 2 : index
    %get3A_63 = arith.constant 0 : index
    %get3A_64 = arith.constant 0 : index
    %get3A_65 = vector.load %arg2[%get3A_62, %get3A_63, %get3A_64] : memref<4x32x1024xbf16, #tpu.memory_space<vmem>>, vector<1x32x1024xbf16>
    %get3A_66 = vector.shape_cast %get3A_65 : vector<1x32x1024xbf16> to vector<32x1024xbf16>
    %convert_element_type3A_67 = arith.extf %get3A_66 : vector<32x1024xbf16> to vector<32x1024xf32>
    %mul3A_68 = arith.mulf %convert_element_type3A_67, %get3A_13 : vector<32x1024xf32>
    %add3A_69 = arith.addf %add3A_61, %mul3A_68 : vector<32x1024xf32>
    %get3A_70 = arith.constant 3 : index
    %get3A_71 = arith.constant 0 : index
    %get3A_72 = arith.constant 0 : index
    %get3A_73 = vector.load %arg2[%get3A_70, %get3A_71, %get3A_72] : memref<4x32x1024xbf16, #tpu.memory_space<vmem>>, vector<1x32x1024xbf16>
    %get3A_74 = vector.shape_cast %get3A_73 : vector<1x32x1024xbf16> to vector<32x1024xbf16>
    %convert_element_type3A_75 = arith.extf %get3A_74 : vector<32x1024xbf16> to vector<32x1024xf32>
    %mul3A_76 = arith.mulf %convert_element_type3A_75, %get3A_18 : vector<32x1024xf32>
    %add3A_77 = arith.addf %add3A_69, %mul3A_76 : vector<32x1024xf32>
    %get3A_78 = arith.constant 0 : index
    %get3A_79 = arith.constant 0 : index
    %get3A_80 = arith.constant 0 : index
    %get3A_81 = vector.load %arg3[%get3A_78, %get3A_79, %get3A_80] : memref<4x32x1024xbf16, #tpu.memory_space<vmem>>, vector<1x32x1024xbf16>
    %get3A_82 = vector.shape_cast %get3A_81 : vector<1x32x1024xbf16> to vector<32x1024xbf16>
    %convert_element_type3A_83 = arith.extf %get3A_82 : vector<32x1024xbf16> to vector<32x1024xf32>
    %mul3A_84 = arith.mulf %convert_element_type3A_83, %get3A_3 : vector<32x1024xf32>
    %get3A_85 = arith.constant 1 : index
    %get3A_86 = arith.constant 0 : index
    %get3A_87 = arith.constant 0 : index
    %get3A_88 = vector.load %arg3[%get3A_85, %get3A_86, %get3A_87] : memref<4x32x1024xbf16, #tpu.memory_space<vmem>>, vector<1x32x1024xbf16>
    %get3A_89 = vector.shape_cast %get3A_88 : vector<1x32x1024xbf16> to vector<32x1024xbf16>
    %convert_element_type3A_90 = arith.extf %get3A_89 : vector<32x1024xbf16> to vector<32x1024xf32>
    %mul3A_91 = arith.mulf %convert_element_type3A_90, %get3A_8 : vector<32x1024xf32>
    %add3A_92 = arith.addf %mul3A_84, %mul3A_91 : vector<32x1024xf32>
    %get3A_93 = arith.constant 2 : index
    %get3A_94 = arith.constant 0 : index
    %get3A_95 = arith.constant 0 : index
    %get3A_96 = vector.load %arg3[%get3A_93, %get3A_94, %get3A_95] : memref<4x32x1024xbf16, #tpu.memory_space<vmem>>, vector<1x32x1024xbf16>
    %get3A_97 = vector.shape_cast %get3A_96 : vector<1x32x1024xbf16> to vector<32x1024xbf16>
    %convert_element_type3A_98 = arith.extf %get3A_97 : vector<32x1024xbf16> to vector<32x1024xf32>
    %mul3A_99 = arith.mulf %convert_element_type3A_98, %get3A_13 : vector<32x1024xf32>
    %add3A_100 = arith.addf %add3A_92, %mul3A_99 : vector<32x1024xf32>
    %get3A_101 = arith.constant 3 : index
    %get3A_102 = arith.constant 0 : index
    %get3A_103 = arith.constant 0 : index
    %get3A_104 = vector.load %arg3[%get3A_101, %get3A_102, %get3A_103] : memref<4x32x1024xbf16, #tpu.memory_space<vmem>>, vector<1x32x1024xbf16>
    %get3A_105 = vector.shape_cast %get3A_104 : vector<1x32x1024xbf16> to vector<32x1024xbf16>
    %convert_element_type3A_106 = arith.extf %get3A_105 : vector<32x1024xbf16> to vector<32x1024xf32>
    %mul3A_107 = arith.mulf %convert_element_type3A_106, %get3A_18 : vector<32x1024xf32>
    %add3A_108 = arith.addf %add3A_100, %mul3A_107 : vector<32x1024xf32>
    %get3A_109 = arith.constant 0 : index
    %get3A_110 = arith.constant 0 : index
    %get3A_111 = arith.constant 0 : index
    %get3A_112 = vector.load %arg4[%get3A_109, %get3A_110, %get3A_111] : memref<4x32x1024xbf16, #tpu.memory_space<vmem>>, vector<1x32x1024xbf16>
    %get3A_113 = vector.shape_cast %get3A_112 : vector<1x32x1024xbf16> to vector<32x1024xbf16>
    %convert_element_type3A_114 = arith.extf %get3A_113 : vector<32x1024xbf16> to vector<32x1024xf32>
    %mul3A_115 = arith.mulf %convert_element_type3A_114, %get3A_3 : vector<32x1024xf32>
    %get3A_116 = arith.constant 1 : index
    %get3A_117 = arith.constant 0 : index
    %get3A_118 = arith.constant 0 : index
    %get3A_119 = vector.load %arg4[%get3A_116, %get3A_117, %get3A_118] : memref<4x32x1024xbf16, #tpu.memory_space<vmem>>, vector<1x32x1024xbf16>
    %get3A_120 = vector.shape_cast %get3A_119 : vector<1x32x1024xbf16> to vector<32x1024xbf16>
    %convert_element_type3A_121 = arith.extf %get3A_120 : vector<32x1024xbf16> to vector<32x1024xf32>
    %mul3A_122 = arith.mulf %convert_element_type3A_121, %get3A_8 : vector<32x1024xf32>
    %add3A_123 = arith.addf %mul3A_115, %mul3A_122 : vector<32x1024xf32>
    %get3A_124 = arith.constant 2 : index
    %get3A_125 = arith.constant 0 : index
    %get3A_126 = arith.constant 0 : index
    %get3A_127 = vector.load %arg4[%get3A_124, %get3A_125, %get3A_126] : memref<4x32x1024xbf16, #tpu.memory_space<vmem>>, vector<1x32x1024xbf16>
    %get3A_128 = vector.shape_cast %get3A_127 : vector<1x32x1024xbf16> to vector<32x1024xbf16>
    %convert_element_type3A_129 = arith.extf %get3A_128 : vector<32x1024xbf16> to vector<32x1024xf32>
    %mul3A_130 = arith.mulf %convert_element_type3A_129, %get3A_13 : vector<32x1024xf32>
    %add3A_131 = arith.addf %add3A_123, %mul3A_130 : vector<32x1024xf32>
    %get3A_132 = arith.constant 3 : index
    %get3A_133 = arith.constant 0 : index
    %get3A_134 = arith.constant 0 : index
    %get3A_135 = vector.load %arg4[%get3A_132, %get3A_133, %get3A_134] : memref<4x32x1024xbf16, #tpu.memory_space<vmem>>, vector<1x32x1024xbf16>
    %get3A_136 = vector.shape_cast %get3A_135 : vector<1x32x1024xbf16> to vector<32x1024xbf16>
    %convert_element_type3A_137 = arith.extf %get3A_136 : vector<32x1024xbf16> to vector<32x1024xf32>
    %mul3A_138 = arith.mulf %convert_element_type3A_137, %get3A_18 : vector<32x1024xf32>
    %add3A_139 = arith.addf %add3A_131, %mul3A_138 : vector<32x1024xf32>
    %get3A_140 = arith.constant 0 : index
    %get3A_141 = arith.constant 0 : index
    %get3A_142 = arith.constant 0 : index
    %get3A_143 = vector.load %arg6[%get3A_140, %get3A_141, %get3A_142] : memref<3x32x1024xf32, #tpu.memory_space<vmem>>, vector<1x32x1024xf32>
    %get3A_144 = vector.shape_cast %get3A_143 : vector<1x32x1024xf32> to vector<32x1024xf32>
    %sub3A = arith.subf %add3A_46, %get3A_144 : vector<32x1024xf32>
    %get3A_145 = arith.constant 1 : index
    %get3A_146 = arith.constant 0 : index
    %get3A_147 = arith.constant 0 : index
    %get3A_148 = vector.load %arg6[%get3A_145, %get3A_146, %get3A_147] : memref<3x32x1024xf32, #tpu.memory_space<vmem>>, vector<1x32x1024xf32>
    %get3A_149 = vector.shape_cast %get3A_148 : vector<1x32x1024xf32> to vector<32x1024xf32>
    %sub3A_150 = arith.subf %add3A_77, %get3A_149 : vector<32x1024xf32>
    %get3A_151 = arith.constant 2 : index
    %get3A_152 = arith.constant 0 : index
    %get3A_153 = arith.constant 0 : index
    %get3A_154 = vector.load %arg6[%get3A_151, %get3A_152, %get3A_153] : memref<3x32x1024xf32, #tpu.memory_space<vmem>>, vector<1x32x1024xf32>
    %get3A_155 = vector.shape_cast %get3A_154 : vector<1x32x1024xf32> to vector<32x1024xf32>
    %sub3A_156 = arith.subf %add3A_108, %get3A_155 : vector<32x1024xf32>
    %mul3A_157 = arith.mulf %sub3A, %sub3A : vector<32x1024xf32>
    %mul3A_158 = arith.mulf %sub3A_150, %sub3A_150 : vector<32x1024xf32>
    %add3A_159 = arith.addf %mul3A_157, %mul3A_158 : vector<32x1024xf32>
    %mul3A_160 = arith.mulf %sub3A_156, %sub3A_156 : vector<32x1024xf32>
    %add3A_161 = arith.addf %add3A_159, %mul3A_160 : vector<32x1024xf32>
    %get3A_162 = arith.constant 0 : index
    %get3A_163 = arith.constant 0 : index
    %get3A_164 = vector.load %arg7[%get3A_162, %get3A_163] : memref<32x1024xf32, #tpu.memory_space<vmem>>, vector<32x1024xf32>
    %add3A_165 = arith.addf %add3A_139, %get3A_164 : vector<32x1024xf32>
    %mul3A_166 = arith.constant 5.000000e-01 : f32
    %mul3A_167 = vector.broadcast %mul3A_166 : f32 to vector<32x1024xf32>
    %mul3A_168 = arith.mulf %mul3A_167, %add3A_165 : vector<32x1024xf32>
    %sqrt3A = math.sqrt %add3A_161 : vector<32x1024xf32>
    %mul3A_169 = arith.mulf %mul3A_168, %sqrt3A : vector<32x1024xf32>
    %ne3A = arith.constant 0.000000e+00 : f32
    %ne3A_170 = vector.broadcast %ne3A : f32 to vector<32x1024xf32>
    %ne3A_171 = arith.cmpf one, %add3A_46, %ne3A_170 : vector<32x1024xf32>
    %ne3A_172 = arith.constant 0.000000e+00 : f32
    %ne3A_173 = vector.broadcast %ne3A_172 : f32 to vector<32x1024xf32>
    %ne3A_174 = arith.cmpf one, %add3A_77, %ne3A_173 : vector<32x1024xf32>
    %or3A = arith.ori %ne3A_171, %ne3A_174 : vector<32x1024xi1>
    %ne3A_175 = arith.constant 0.000000e+00 : f32
    %ne3A_176 = vector.broadcast %ne3A_175 : f32 to vector<32x1024xf32>
    %ne3A_177 = arith.cmpf one, %add3A_108, %ne3A_176 : vector<32x1024xf32>
    %or3A_178 = arith.ori %or3A, %ne3A_177 : vector<32x1024xi1>
    %jit3A = arith.constant 0.000000e+00 : f32
    %broadcast_in_dim3A = vector.broadcast %jit3A : f32 to vector<32x1024xf32>
    %select_n3A = arith.select %or3A_178, %mul3A_169, %broadcast_in_dim3A : vector<32x1024xi1>, vector<32x1024xf32>
    %jit3A_179 = arith.constant 1.000000e+00 : f32
    %jit3A_180 = arith.constant 0.000000e+00 : f32
    %broadcast_in_dim3A_181 = vector.broadcast %jit3A_179 : f32 to vector<32x1024xf32>
    %broadcast_in_dim3A_182 = vector.broadcast %jit3A_180 : f32 to vector<32x1024xf32>
    %select_n3A_183 = arith.select %or3A_178, %broadcast_in_dim3A_181, %broadcast_in_dim3A_182 : vector<32x1024xi1>, vector<32x1024xf32>
    %reduce_sum3A = arith.constant dense<0.000000e+00> : vector<1024xf32>
    %reduce_sum3A_184 = vector.multi_reduction <add>, %select_n3A, %reduce_sum3A [0] : vector<32x1024xf32> to vector<1024xf32>
    %broadcast_in_dim3A_185 = vector.shape_cast %reduce_sum3A_184 : vector<1024xf32> to vector<1x1024xf32>
    %reduce_sum3A_186 = arith.constant dense<0.000000e+00> : vector<1024xf32>
    %reduce_sum3A_187 = vector.multi_reduction <add>, %select_n3A_183, %reduce_sum3A_186 [0] : vector<32x1024xf32> to vector<1024xf32>
    %broadcast_in_dim3A_188 = vector.shape_cast %reduce_sum3A_187 : vector<1024xf32> to vector<1x1024xf32>
    %eq3A = arith.constant 0 : i32
    %eq3A_189 = arith.cmpi eq, %arg0, %eq3A : i32
    %convert_element_type3A_190 = arith.extui %eq3A_189 : i1 to i32
    %cond3A = arith.constant 0 : i32
    %cond3A_191 = arith.cmpi ne, %convert_element_type3A_190, %cond3A : i32
    scf.if %cond3A_191 {
      %broadcast_in_dim3A_205 = arith.constant 0.000000e+00 : f32
      %broadcast_in_dim3A_206 = vector.broadcast %broadcast_in_dim3A_205 : f32 to vector<1x1024xf32>
      %swap3A_207 = arith.constant 0 : index
      %swap3A_208 = arith.constant 0 : index
      %swap3A_209 = vector.load %arg8[%swap3A_207, %swap3A_208] : memref<1x1024xf32, #tpu.memory_space<vmem>>, vector<1x1024xf32>
      tpu.vector_store %arg8[%swap3A_207, %swap3A_208], %broadcast_in_dim3A_206 {strides = array<i32>} : memref<1x1024xf32, #tpu.memory_space<vmem>>, vector<1x1024xf32>,
      %broadcast_in_dim3A_210 = arith.constant 0.000000e+00 : f32
      %broadcast_in_dim3A_211 = vector.broadcast %broadcast_in_dim3A_210 : f32 to vector<1x1024xf32>
      %swap3A_212 = arith.constant 0 : index
      %swap3A_213 = arith.constant 0 : index
      %swap3A_214 = vector.load %arg9[%swap3A_212, %swap3A_213] : memref<1x1024xf32, #tpu.memory_space<vmem>>, vector<1x1024xf32>
      tpu.vector_store %arg9[%swap3A_212, %swap3A_213], %broadcast_in_dim3A_211 {strides = array<i32>} : memref<1x1024xf32, #tpu.memory_space<vmem>>, vector<1x1024xf32>,
    } else {
    }
    %get3A_192 = arith.constant 0 : index
    %get3A_193 = arith.constant 0 : index
    %get3A_194 = vector.load %arg8[%get3A_192, %get3A_193] : memref<1x1024xf32, #tpu.memory_space<vmem>>, vector<1x1024xf32>
    %add3A_195 = arith.addf %get3A_194, %broadcast_in_dim3A_185 : vector<1x1024xf32>
    %swap3A = arith.constant 0 : index
    %swap3A_196 = arith.constant 0 : index
    %swap3A_197 = vector.load %arg8[%swap3A, %swap3A_196] : memref<1x1024xf32, #tpu.memory_space<vmem>>, vector<1x1024xf32>
    tpu.vector_store %arg8[%swap3A, %swap3A_196], %add3A_195 {strides = array<i32>} : memref<1x1024xf32, #tpu.memory_space<vmem>>, vector<1x1024xf32>,
    %get3A_198 = arith.constant 0 : index
    %get3A_199 = arith.constant 0 : index
    %get3A_200 = vector.load %arg9[%get3A_198, %get3A_199] : memref<1x1024xf32, #tpu.memory_space<vmem>>, vector<1x1024xf32>
    %add3A_201 = arith.addf %get3A_200, %broadcast_in_dim3A_188 : vector<1x1024xf32>
    %swap3A_202 = arith.constant 0 : index
    %swap3A_203 = arith.constant 0 : index
    %swap3A_204 = vector.load %arg9[%swap3A_202, %swap3A_203] : memref<1x1024xf32, #tpu.memory_space<vmem>>, vector<1x1024xf32>
    tpu.vector_store %arg9[%swap3A_202, %swap3A_203], %add3A_201 {strides = array<i32>} : memref<1x1024xf32, #tpu.memory_space<vmem>>, vector<1x1024xf32>,
    return
  }
  func.func @transform_0(%arg0: i32) -> (i32, i32, i32) {
    %c0_i32 = arith.constant 0 : i32
    %c0_i32_0 = arith.constant 0 : i32
    %c0_i32_1 = arith.constant 0 : i32
    return %c0_i32, %arg0, %c0_i32_0 : i32, i32, i32
  }
  func.func @transform_1(%arg0: i32) -> (i32, i32, i32) {
    %c0_i32 = arith.constant 0 : i32
    %c0_i32_0 = arith.constant 0 : i32
    %c0_i32_1 = arith.constant 0 : i32
    return %c0_i32, %arg0, %c0_i32_0 : i32, i32, i32
  }
  func.func @transform_2(%arg0: i32) -> (i32, i32, i32) {
    %c0_i32 = arith.constant 0 : i32
    %c0_i32_0 = arith.constant 0 : i32
    %c0_i32_1 = arith.constant 0 : i32
    return %c0_i32, %arg0, %c0_i32_0 : i32, i32, i32
  }
  func.func @transform_3(%arg0: i32) -> (i32, i32, i32) {
    %c0_i32 = arith.constant 0 : i32
    %c0_i32_0 = arith.constant 0 : i32
    %c0_i32_1 = arith.constant 0 : i32
    return %c0_i32, %arg0, %c0_i32_0 : i32, i32, i32
  }
  func.func @transform_4(%arg0: i32) -> (i32, i32, i32) {
    %c0_i32 = arith.constant 0 : i32
    %c0_i32_0 = arith.constant 0 : i32
    %c0_i32_1 = arith.constant 0 : i32
    return %c0_i32, %arg0, %c0_i32_0 : i32, i32, i32
  }
  func.func @transform_5(%arg0: i32) -> (i32, i32, i32) {
    %c0_i32 = arith.constant 0 : i32
    %c0_i32_0 = arith.constant 0 : i32
    %c0_i32_1 = arith.constant 0 : i32
    return %c0_i32, %arg0, %c0_i32_0 : i32, i32, i32
  }
  func.func @transform_6(%arg0: i32) -> (i32, i32) {
    %c0_i32 = arith.constant 0 : i32
    %c0_i32_0 = arith.constant 0 : i32
    return %arg0, %c0_i32 : i32, i32
  }
  func.func @transform_7(%arg0: i32) -> (i32, i32) {
    %c0_i32 = arith.constant 0 : i32
    %c0_i32_0 = arith.constant 0 : i32
    %c0_i32_1 = arith.constant 0 : i32
    return %c0_i32, %c0_i32_0 : i32, i32
  }
  func.func @transform_8(%arg0: i32) -> (i32, i32) {
    %c0_i32 = arith.constant 0 : i32
    %c0_i32_0 = arith.constant 0 : i32
    %c0_i32_1 = arith.constant 0 : i32
    return %c0_i32, %c0_i32_0 : i32, i32
  }
}

</mosaic_0001>

<sc_bundles>
// kernel: kernel.5.cloned.1.call-start
scs
__scs_entry_jumppad:
0x0: {  	(pc) =	sbr.rel $0x88, $3  }
0x1: {  	(tag) =	ssettag $0x0;
	lr =	simm.s32 $0x1  }
0x2: {  	[smem:$0x3F98] =	sst lr;
	_ =	strace $0xD0000000  }
0x3: {  	_ = 	snop  }
0x4: {  	_ = 	snop  }
0x5: {  	_ = 	snop  }
0x6: {  	_ = 	snop  }
0x7: {  	_ = 	snop  }
__scs_overlays_trampoline_lowered:
0x8: {  	[smem:$0x3FA7] =	sst s0  }
0x9: {  	[smem:$0x3FA8] =	sst s1  }
0xa: {  	[smem:$0x3FA9] =	sst s2  }
0xb: {  	[smem:$0x3FAA] =	sst s3  }
0xc: {  	[smem:$0x3FAB] =	sst s4  }
0xd: {  	[smem:$0x3FAC] =	sst s5  }
0xe: {  	[smem:$0x3FAD] =	sst s6  }
0xf: {  	[smem:$0x3FAE] =	sst s7  }
0x10: {  	[smem:$0x3FAF] =	sst s8  }
0x11: {  	[smem:$0x3FB0] =	sst s9;
	s0 =	simm.s32 @!p0 $0x0  }
0x12: {  	s1 =	sld [smem:$0x3F96];
	s0 =	simm.s32 @p0 $0x1  }
0x13: {  	[smem:$0x3FB1] =	sst s0;
	s0 =	simm.s32 @!p1 $0x0  }
0x14: {  	s2 =	sld [smem:$0x3F95];
	s0 =	simm.s32 @p1 $0x1  }
0x15: {  	[smem:$0x3FB2] =	sst s0;
	s0 =	simm.s32 @!p2 $0x0  }
0x16: {  	s3 =	sld [smem:$0x3FDB];
	s0 =	simm.s32 @p2 $0x1  }
0x17: {  	s4 =	simm.s32 $0x1BF5;
	[smem:$0x3FB4] =	sst s0  }
0x18: {  	s0 =	sld [smem:$0x3F97];
	_ =	swait.ge [sflag:s4], $0x0  }
0x19: {  	s7 =	sld [smem:$0x3F98]  }
0x1a: {  	s8 =	sadd.s32 $0xFFFFE003, lr  }
0x1b: {  	s9 =	sadd.s32 $0xFFFFFEF7, lr;
	s5 =	simm.s32 $0xFFFFFFFF;
	p2 =	slt.u32 s8, $0xFFFFF086  }
0x1c: {  	p1 =	slt.u32 s9, $0xF7A;
	s5 =	simm.s32 @!p2 $0x0  }
0x1d: {  	s5 =	simm.s32 @p1 $0x1;
	p0 =	seq.s32 s7, s2  }
0x1e: {  	s7 =	smul.u32 @!p0 $0xF7A, s2;
	p2 =	seq.s32 @!p0 s5, $0x0  }
0x1f: {  	s9 =	smul.u32 $0xF7A, s1;
	s8 =	simm.s32 @!p0 $0x1BF5;
	p2 =	por !p2, p0  }
0x20: {  	[sflag:s8] =	ssyncset.s32 @!p0 $0xFFFFF086;
	s6 =	sadd.s32 @!p0 s3, s7;
	s7 =	simm.s32 @!p0 $0x108  }
0x21: {  	s3 =	sadd.s32 s3, s9;
	s6 =	sadd.s32 @!p0 $0x88, s6;
	s7 =	simm.s32 @p2 $0x1082  }
0x22: {  	[simem:s7], [sflag:s8] =	dma.local @!p0 [hbm:s6], $0xF7A  }
0x23: {  	s9 =	sor.u32 $0xD0000000, s2;
	s6 =	simm.s32 $0x108;
	_ =	swait.ge @!p0 [sflag:s8], $0x0  }
0x24: {  	s3 =	sadd.s32 $0x88, s3;
	s6 =	simm.s32 @!p1 $0x1082;
	[sflag:s4] =	ssyncset.s32 $0xFFFFF086  }
0x25: {  	[simem:s6], [sflag:s4] =	dma.local [hbm:s3], $0xF7A  }
0x26: {  	[smem:$0x3F98] =	sst s1;
	(tag) =	ssettag s2;
	_ =	strace s9  }
0x27: {  	s1 =	sld [smem:$0x3FA8]  }
0x28: {  	s2 =	sld [smem:$0x3FA9]  }
0x29: {  	s4 =	sld [smem:$0x3FAB]  }
0x2a: {  	p0 =	seq.s32 s5, $0x0;
	s5 =	sld [smem:$0x3FAC]  }
0x2b: {  	s6 =	sld [smem:$0x3FAD]  }
0x2c: {  	s7 =	sld [smem:$0x3FAE]  }
0x2d: {  	s3 =	simm.s32 $0x108;
	s8 =	sld [smem:$0x3FAF]  }
0x2e: {  	s3 =	simm.s32 @!p0 $0x1082;
	s9 =	sld [smem:$0x3FB0]  }
0x2f: {  	lr =	sadd.s32 s0, s3;
	s0 =	sld [smem:$0x3FA7]  }
0x30: {  	s3 =	sld [smem:$0x3FAA]  }
0x31: {  	[smem:$0x3FB3] =	sst s10  }
0x32: {  	s10 =	sld [smem:$0x3FB1];
	_ =	sdelay $0x3  }
0x33: {  	p0 =	seq.s32 s10, $0x1;
	s10 =	sld [smem:$0x3FB3];
	_ =	sdelay $0x3  }
0x34: {  	[smem:$0x3FB3] =	sst s10  }
0x35: {  	s10 =	sld [smem:$0x3FB2];
	_ =	sdelay $0x3  }
0x36: {  	p1 =	seq.s32 s10, $0x1;
	s10 =	sld [smem:$0x3FB3];
	_ =	sdelay $0x3  }
0x37: {  	[smem:$0x3FB3] =	sst s10  }
0x38: {  	s10 =	sld [smem:$0x3FB4]  }
0x39: {  	_ = 	snop;
	(pc) =	sbr.ind lr, $3  }
0x3a: {  	_ = 	snop  }
0x3b: {  	_ = 	snop  }
0x3c: {  	p2 =	seq.s32 s10, $0x1;
	s10 =	sld [smem:$0x3FB3]  }
0x3d: {  	_ =	shalt  }
0x3e: {  	_ =	shalt  }
0x3f: {  	_ =	shalt  }
0x40: {  	_ =	shalt  }
0x41: {  	_ =	shalt  }
0x42: {  	_ =	shalt  }
0x43: {  	_ =	shalt  }
0x44: {  	_ =	shalt  }
0x45: {  	_ =	shalt  }
0x46: {  	_ =	shalt  }
0x47: {  	_ =	shalt  }
0x48: {  	_ =	shalt  }
0x49: {  	_ =	shalt  }
0x4a: {  	_ =	shalt  }
0x4b: {  	_ =	shalt  }
0x4c: {  	_ =	shalt  }
0x4d: {  	_ =	shalt  }
0x4e: {  	_ =	shalt  }
0x4f: {  	_ =	shalt  }
0x50: {  	_ =	shalt  }
0x51: {  	_ =	shalt  }
0x52: {  	_ =	shalt  }
0x53: {  	_ =	shalt  }
0x54: {  	_ =	shalt  }
0x55: {  	_ =	shalt  }
0x56: {  	_ =	shalt  }
0x57: {  	_ =	shalt  }
0x58: {  	_ =	shalt  }
0x59: {  	_ =	shalt  }
0x5a: {  	_ =	shalt  }
0x5b: {  	_ =	shalt  }
0x5c: {  	_ =	shalt  }
0x5d: {  	_ =	shalt  }
0x5e: {  	_ =	shalt  }
0x5f: {  	_ =	shalt  }
0x60: {  	_ =	shalt  }
0x61: {  	_ =	shalt  }
0x62: {  	_ =	shalt  }
0x63: {  	_ =	shalt  }
0x64: {  	_ =	shalt  }
0x65: {  	_ =	shalt  }
0x66: {  	_ =	shalt  }
0x67: {  	_ =	shalt  }
0x68: {  	_ =	shalt  }
0x69: {  	_ =	shalt  }
0x6a: {  	_ =	shalt  }
0x6b: {  	_ =	shalt  }
0x6c: {  	_ =	shalt  }
0x6d: {  	_ =	shalt  }
0x6e: {  	_ =	shalt  }
0x6f: {  	_ =	shalt  }
0x70: {  	_ =	shalt  }
0x71: {  	_ =	shalt  }
0x72: {  	_ =	shalt  }
0x73: {  	_ =	shalt  }
0x74: {  	_ =	shalt  }
0x75: {  	_ =	shalt  }
0x76: {  	_ =	shalt  }
0x77: {  	_ =	shalt  }
0x78: {  	_ =	shalt  }
0x79: {  	_ =	shalt  }
0x7a: {  	_ =	shalt  }
0x7b: {  	_ =	shalt  }
0x7c: {  	_ =	shalt  }
0x7d: {  	_ =	shalt  }
0x7e: {  	_ =	shalt  }
0x7f: {  	_ =	shalt  }
0x80: {  	_ =	shalt  }
0x81: {  	_ =	shalt  }
0x82: {  	_ =	shalt  }
0x83: {  	_ =	shalt  }
0x84: {  	_ =	shalt  }
0x85: {  	_ =	shalt  }
0x86: {  	_ =	shalt  }
0x87: {  	_ =	shalt  }
.Lfunc_end0:
.L_simem_size_0:
called_computation_lowered:
.L_overlay_start_0:
0x88: {  	s2 =	sld [smem:$0x3FD9]  }
0x89: {  	s3 =	sld [smem:$0x3FFE];
	_ =	sdelay $0x1  }
0x8a: {  	s1 =	srdreg.scid  }
0x8b: {  	s0 =	sand.u32 $0x1, s1  }
0x8c: {  	s16 =	sshll.u32 s0, $0xA;
	s2 =	sadd.s32 s3, s2  }
0x8d: {  	s2 =	sadd.s32 s2, s16  }
0x8e: {  	[smem:$0x3FBF] =	sst s2  }
0x8f: {  	_ = 	snop  }
0x90: {  	(tm) =	ssettm $0x1  }
0x91: {  	s17 =	sld [smem:$0x3FFB];
	_ =	sdelay $0x3  }
0x92: {  	_ =	strace s17  }
0x93: {  	s2 =	sld [smem:$0x3FFC];
	_ =	sdelay $0x3  }
0x94: {  	_ =	strace s2  }
0x95: {  	s2 =	sld [smem:$0x3FFD];
	_ =	sdelay $0x3  }
0x96: {  	_ =	strace s2  }
0x97: {  	_ =	strace $0x8FFFFFFF  }
0x98: {  	s18 =	sld [smem:$0x3FDB];
	_ =	sdelay $0x1  }
0x99: {  	s19 =	simm.s32 $_scs_section_size  }
0x9a: {  	s4 =	simm.s32 $_size__tile_overlayer_lowered;
	s5 =	simm.s32 $_tile_overlayer_lowered  }
0x9b: {  	s22 =	simm.s32 $0x1BFF;
	s21 =	sshll.u32 s5, $0x1;
	s2 =	sadd.s32 s19, s18  }
0x9c: {  	s6 =	simm.s32 $0x0;
	s20 =	sshll.u32 s4, $0x1;
	s4 =	sadd.s32 s21, s2  }
0x9d: {  	[timem:s6], [sflag:s22] =	dma.local [hbm:s4], s20  }
0x9e: {  	_ =	swait.ge [sflag:s22], s20  }
0x9f: {  	s3 =	ssub.s32 $0x0, s20;
	[sflag:s22] =	ssyncset.done $0x0  }
0xa0: {  	[sflag:s22] =	ssyncadd.s32 s3;
	_ =	sdelay $0x1  }
0xa1: {  	s23 =	simm.s32 $0x1B8B  }
0xa2: {  	_ =	swait.ge [sflag:s23], $0x1  }
0xa3: {  	[sflag:s23] =	ssyncset.done $0x0  }
0xa4: {  	s25 =	simm.s32 $0x1B8E;
	s24 =	sld [smem:$0x3FFE];
	[sflag:s23] =	ssyncadd.s32 $0xFFFFFFFF  }
0xa5: {  	s26 =	simm.s32 $execute0_lowered;
	[smem:$0x3FD2] =	sst s25  }
0xa6: {  	s4 =	sshll.u32 s26, $0x1;
	_ =	strace $0x80000046;
	[dreg:$0x1] =	wrdreg $0xFFFFFFFF  }
0xa7: {  	s28 =	simm.s32 $_size_execute0_lowered;
	s2 =	sadd.s32 s2, s4;
	[dreg:$0x0] =	wrdreg $0x0  }
0xa8: {  	s4 =	sshll.u32 s28, $0x1;
	[dreg:$0x2] =	wrdreg s2  }
0xa9: {  	[dreg:$0x3] =	wrdreg s4  }
0xaa: {  	[dreg:$0x4] =	wrdreg $0xC0  }
0xab: {  	_ =	task [dreg:s6], $0x5FFFF  }
0xac: {  	[dreg:$0x1] =	wrdreg $0xFFFFFFFF  }
0xad: {  	[dreg:$0x0] =	wrdreg $0x60  }
0xae: {  	[dreg:$0x2] =	wrdreg s24  }
0xaf: {  	[dreg:$0x3] =	wrdreg $0x9  }
0xb0: {  	_ =	task.clear_ibuf [dreg:s6], $0x4FFFF;
	_ =	strace $0x90000046  }
0xb1: {  	s29 =	simm.s32 $0x9;
	_ =	strace $0x80000048  }
0xb2: {  	_ =	swait.ge [sflag:s29], $0x1  }
0xb3: {  	[sflag:s29] =	ssyncadd.s32 $0xFFFFFFFF  }
0xb4: {  	_ =	strace $0x90000048  }
0xb5: {  	_ =	sfence  }
0xb6: {  	s30 =	sld [smem:$0x0];
	_ =	sdelay $0x2  }
0xb7: {  	s31 =	sshll.u32 s1, $0xD;
	s1 =	sshrl.u32 s1, $0x2  }
0xb8: {  	s3 =	sand.u32 $0x4000, s31;
	s1 =	sadd.s32 s1, s30  }
0xb9: {  	s0 =	sor.u32 s3, s0;
	s1 =	sshll.u32 s1, $0x11  }
0xba: {  	s0 =	sor.u32 s1, s0  }
0xbb: {  	s0 =	sadd.s32 $0x8F2B, s0  }
0xbc: {  	[sflag:s0] =	ssyncadd.remote.s32 $0x1  }
0xbd: {  	_ =	sfence.sel $0xFFFF  }
0xbe: {  	[dreg:$0x0] =	wrdreg $0xFFFFFFFF;
	(pc) =	sbr.abs _section_cstart, $3  }
0xbf: {  	[dreg:$0x1] =	wrdreg $0xFFFFFFFF  }
0xc0: {  	_ =	task.clear_ibuf [dreg:s6], $0x2FFFF;
	_ =	strace $0x9FFFFFFF  }
0xc1: {  	(tm) =	ssettm $0x7FFFFFFF  }
tec
execute0_lowered:
.L_overlay_start_1:
0x0: {  	(tag) =	ssettag $0x1  }
0x1: {  	s4 =	rddreg [dreg:$0x0]  }
0x2: {  	s0 =	rddreg [dreg:$0x1]  }
0x3: {  	s2 =	simm.s32 $0x0;
	s3 =	srdreg.scid;
	s1 =	stileid.u32  }
0x4: {  	s10 =	simm.s32 $0x1800;
	s11 =	simm.s32 $0x2000;
	s12 =	simm.s32 $0x6000  }
0x5: {  	s13 =	simm.s32 $0xA000;
	s14 =	simm.s32 $0xE000;
	s15 =	simm.s32 $0x1  }
0x6: {  	s16 =	simm.s32 $0x0;
	[smem:$0x7FF] =	sst s2;
	s3 =	sand.u32 $0x1, s3  }
0x7: {  	s5 =	sshll.u32 s1, $0x10;
	_ =	strace $0x80000047;
	s6 =	sshll.u32 s3, $0xF  }
0x8: {  	s7 =	ssub.s32 $0x2, s3;
	s3 =	sadd.s32 $0x180400, s4;
	s8 =	sor.u32 s6, s5  }
0x9: {  	s9 =	sshrl.u32 s7, $0x1;
	s5 =	sadd.s32 s5, s4;
	s8 =	sshrl.u32 s8, $0x3  }
0xa: {  	s7 =	ssub.s32 s7, s9;
	s5 =	sadd.s32 s6, s5;
	s9 =	simm.s32 $0x1000  }
0xb: {  	s8 =	sadd.s32 s8, s4;
	s4 =	smax.u32 s7, $0x1;
	s5 =	sadd.s32 $0x380600, s5  }
0xc: {  	s7 =	simm.s32 $0x2;
	s6 =	sadd.s32 $0x160400, s8;
	s8 =	simm.s32 $0x800  }
.LBB2_1:
0xd: {  	s17 =	sadd.s32 $0xFFFA0000, s6  }
0xe: {  	[tilespmem:s2], [sflag:$0x2] =	stream.linear.gather [hbm4b:s17+s2], $0x800, $0x38;
	[tilespmem:$0x12000] =	vst v63  }
0xf: {  	_ =	swait.ge [sflag:s7], $0x800  }
0x10: {  	[sflag:s7] =	ssyncset.done $0x0  }
0x11: {  	s28 =	sadd.s32 $0xFFFC0000, s6;
	[sflag:s7] =	ssyncadd.s32 $0xFFFFF800  }
0x12: {  	[tilespmem:s8], [sflag:$0x2] =	stream.linear.gather [hbm4b:s28+s2], $0x800, $0x38;
	[tilespmem:$0x12000] =	vst v63  }
0x13: {  	_ =	swait.ge [sflag:s7], $0x800  }
0x14: {  	[sflag:s7] =	ssyncset.done $0x0  }
0x15: {  	s29 =	sadd.s32 $0xFFFE0000, s6;
	[sflag:s7] =	ssyncadd.s32 $0xFFFFF800  }
0x16: {  	[tilespmem:s9], [sflag:$0x2] =	stream.linear.gather [hbm4b:s29+s2], $0x800, $0x38;
	[tilespmem:$0x12000] =	vst v63  }
0x17: {  	_ =	swait.ge [sflag:s7], $0x800  }
0x18: {  	[sflag:s7] =	ssyncset.done $0x0  }
0x19: {  	[sflag:s7] =	ssyncadd.s32 $0xFFFFF800  }
0x1a: {  	[tilespmem:s10], [sflag:$0x2] =	stream.linear.gather [hbm4b:s6+s2], $0x800, $0x38;
	[tilespmem:$0x12000] =	vst v63  }
0x1b: {  	_ =	swait.ge [sflag:s7], $0x800  }
0x1c: {  	[sflag:s7] =	ssyncset.done $0x0  }
0x1d: {  	[sflag:s7] =	ssyncadd.s32 $0xFFFFF800  }
0x1e: {  	[tilespmem:s11], [sflag:$0x1] =	stream.indirect.gather [hbm4b:s3+s8], $0x2, s2, s8, $0xb8;
	[tilespmem:$0x12000] =	vst v63  }
0x1f: {  	_ = 	snop  }
0x20: {  	[tilespmem:s12], [sflag:$0x1] =	stream.indirect.gather [hbm4b:s3+s8], $0x2, s8, s8, $0xb8;
	[tilespmem:$0x12000] =	vst v63  }
0x21: {  	_ = 	snop  }
0x22: {  	[tilespmem:s13], [sflag:$0x1] =	stream.indirect.gather [hbm4b:s3+s8], $0x2, s9, s8, $0xb8;
	[tilespmem:$0x12000] =	vst v63  }
0x23: {  	_ = 	snop  }
0x24: {  	[tilespmem:s14], [sflag:$0x1] =	stream.indirect.gather [hbm4b:s3+s8], $0x2, s10, s8, $0xb8;
	[tilespmem:$0x12000] =	vst v63  }
0x25: {  	_ =	swait.ge [sflag:s15], $0x1000  }
0x26: {  	[sflag:s15] =	ssyncset.done $0x0  }
0x27: {  	[sflag:s15] =	ssyncadd.s32 $0xFFFFF000  }
0x28: {  	_ =	swait.ge [sflag:s15], $0x1000  }
0x29: {  	[sflag:s15] =	ssyncset.done $0x0  }
0x2a: {  	[sflag:s15] =	ssyncadd.s32 $0xFFFFF000  }
0x2b: {  	_ =	swait.ge [sflag:s15], $0x1000  }
0x2c: {  	[sflag:s15] =	ssyncset.done $0x0  }
0x2d: {  	[sflag:s15] =	ssyncadd.s32 $0xFFFFF000  }
0x2e: {  	_ =	swait.ge [sflag:s15], $0x1000  }
0x2f: {  	[sflag:s15] =	ssyncset.done $0x0  }
0x30: {  	s30 =	sadd.s32 $0x0, s5;
	[sflag:s15] =	ssyncadd.s32 $0xFFFFF000  }
0x31: {  	[hbm4b:s30+s2] =	stream.linear.scatter [tilespmem:s11], [sflag:$0x2], $0x4000, $0x38;
	[tilespmem:$0x12000] =	vst v63  }
0x32: {  	_ =	swait.ge [sflag:s7], $0x4000  }
0x33: {  	[sflag:s7] =	ssyncset.done $0x0  }
0x34: {  	s18 =	sadd.s32 $0x100000, s30;
	[sflag:s7] =	ssyncadd.s32 $0xFFFFC000  }
0x35: {  	[hbm4b:s18+s2] =	stream.linear.scatter [tilespmem:s12], [sflag:$0x2], $0x4000, $0x38;
	[tilespmem:$0x12000] =	vst v63  }
0x36: {  	_ =	swait.ge [sflag:s7], $0x4000  }
0x37: {  	[sflag:s7] =	ssyncset.done $0x0  }
0x38: {  	s31 =	sadd.s32 $0x200000, s30;
	[sflag:s7] =	ssyncadd.s32 $0xFFFFC000  }
0x39: {  	[hbm4b:s31+s2] =	stream.linear.scatter [tilespmem:s13], [sflag:$0x2], $0x4000, $0x38;
	[tilespmem:$0x12000] =	vst v63  }
0x3a: {  	_ =	swait.ge [sflag:s7], $0x4000  }
0x3b: {  	[sflag:s7] =	ssyncset.done $0x0  }
0x3c: {  	s17 =	sadd.s32 $0x300000, s30;
	[sflag:s7] =	ssyncadd.s32 $0xFFFFC000  }
0x3d: {  	[hbm4b:s17+s2] =	stream.linear.scatter [tilespmem:s14], [sflag:$0x2], $0x4000, $0x38;
	[tilespmem:$0x12000] =	vst v63  }
0x3e: {  	s19 =	simm.s32 $0x1000;
	_ =	swait.ge [sflag:s7], $0x4000  }
0x3f: {  	s18 =	sadd.s32 $0x100, s6;
	s17 =	simm.s32 $0x800;
	[sflag:s7] =	ssyncset.done $0x0  }
.LBB2_2:
0x40: {  	p0 =	sne.s32 s19, $0x7800;
	s20 =	sadd.s32 $0xFFFA0000, s18;
	[sflag:s7] =	ssyncadd.s32 $0xFFFFC000  }
0x41: {  	[tilespmem:s2], [sflag:$0x2] =	stream.linear.gather [hbm4b:s20+s2], $0x800, $0x38;
	[tilespmem:$0x12000] =	vst v63  }
0x42: {  	s20 =	smov.u32 s19;
	s19 =	sadd.s32 $0x800, s19;
	_ =	swait.ge [sflag:s7], $0x800  }
0x43: {  	[sflag:s7] =	ssyncset.done $0x0  }
0x44: {  	s21 =	sadd.s32 $0xFFFC0000, s18;
	[sflag:s7] =	ssyncadd.s32 $0xFFFFF800  }
0x45: {  	[tilespmem:s8], [sflag:$0x2] =	stream.linear.gather [hbm4b:s21+s2], $0x800, $0x38;
	[tilespmem:$0x12000] =	vst v63  }
0x46: {  	_ =	swait.ge [sflag:s7], $0x800  }
0x47: {  	[sflag:s7] =	ssyncset.done $0x0  }
0x48: {  	s21 =	sadd.s32 $0xFFFE0000, s18;
	[sflag:s7] =	ssyncadd.s32 $0xFFFFF800  }
0x49: {  	[tilespmem:s9], [sflag:$0x2] =	stream.linear.gather [hbm4b:s21+s2], $0x800, $0x38;
	[tilespmem:$0x12000] =	vst v63  }
0x4a: {  	_ =	swait.ge [sflag:s7], $0x800  }
0x4b: {  	[sflag:s7] =	ssyncset.done $0x0  }
0x4c: {  	[sflag:s7] =	ssyncadd.s32 $0xFFFFF800  }
0x4d: {  	[tilespmem:s10], [sflag:$0x2] =	stream.linear.gather [hbm4b:s18+s2], $0x800, $0x38;
	[tilespmem:$0x12000] =	vst v63  }
0x4e: {  	_ =	swait.ge [sflag:s7], $0x800  }
0x4f: {  	[sflag:s7] =	ssyncset.done $0x0  }
0x50: {  	[sflag:s7] =	ssyncadd.s32 $0xFFFFF800  }
0x51: {  	[tilespmem:s11], [sflag:$0x1] =	stream.indirect.gather [hbm4b:s3+s8], $0x2, s2, s8, $0xb8;
	[tilespmem:$0x12000] =	vst v63  }
0x52: {  	_ = 	snop  }
0x53: {  	[tilespmem:s12], [sflag:$0x1] =	stream.indirect.gather [hbm4b:s3+s8], $0x2, s8, s8, $0xb8;
	[tilespmem:$0x12000] =	vst v63  }
0x54: {  	_ = 	snop  }
0x55: {  	[tilespmem:s13], [sflag:$0x1] =	stream.indirect.gather [hbm4b:s3+s8], $0x2, s9, s8, $0xb8;
	[tilespmem:$0x12000] =	vst v63  }
0x56: {  	_ = 	snop  }
0x57: {  	[tilespmem:s14], [sflag:$0x1] =	stream.indirect.gather [hbm4b:s3+s8], $0x2, s10, s8, $0xb8;
	[tilespmem:$0x12000] =	vst v63  }
0x58: {  	_ =	swait.ge [sflag:s15], $0x1000  }
0x59: {  	[sflag:s15] =	ssyncset.done $0x0  }
0x5a: {  	[sflag:s15] =	ssyncadd.s32 $0xFFFFF000  }
0x5b: {  	_ =	swait.ge [sflag:s15], $0x1000  }
0x5c: {  	[sflag:s15] =	ssyncset.done $0x0  }
0x5d: {  	[sflag:s15] =	ssyncadd.s32 $0xFFFFF000  }
0x5e: {  	_ =	swait.ge [sflag:s15], $0x1000  }
0x5f: {  	[sflag:s15] =	ssyncset.done $0x0  }
0x60: {  	[sflag:s15] =	ssyncadd.s32 $0xFFFFF000  }
0x61: {  	_ =	swait.ge [sflag:s15], $0x1000  }
0x62: {  	[sflag:s15] =	ssyncset.done $0x0  }
0x63: {  	s21 =	sadd.s32 s17, s5;
	s17 =	smov.u32 s20;
	[sflag:s15] =	ssyncadd.s32 $0xFFFFF000  }
0x64: {  	[hbm4b:s21+s2] =	stream.linear.scatter [tilespmem:s11], [sflag:$0x2], $0x4000, $0x38;
	[tilespmem:$0x12000] =	vst v63  }
0x65: {  	_ =	swait.ge [sflag:s7], $0x4000  }
0x66: {  	[sflag:s7] =	ssyncset.done $0x0  }
0x67: {  	s20 =	sadd.s32 $0x100000, s21;
	[sflag:s7] =	ssyncadd.s32 $0xFFFFC000  }
0x68: {  	[hbm4b:s20+s2] =	stream.linear.scatter [tilespmem:s12], [sflag:$0x2], $0x4000, $0x38;
	[tilespmem:$0x12000] =	vst v63  }
0x69: {  	_ =	swait.ge [sflag:s7], $0x4000  }
0x6a: {  	[sflag:s7] =	ssyncset.done $0x0  }
0x6b: {  	s20 =	sadd.s32 $0x200000, s21;
	[sflag:s7] =	ssyncadd.s32 $0xFFFFC000  }
0x6c: {  	[hbm4b:s20+s2] =	stream.linear.scatter [tilespmem:s13], [sflag:$0x2], $0x4000, $0x38;
	[tilespmem:$0x12000] =	vst v63  }
0x6d: {  	_ =	swait.ge [sflag:s7], $0x4000  }
.Ltmp0:
0x6e: {  	[sflag:s7] =	ssyncset.done $0x0;
	(pc) =	sbr.rel @p0 .LBB2_2-.Ltmp0, $4  }
0x6f: {  	s20 =	sadd.s32 $0x300000, s21;
	[sflag:s7] =	ssyncadd.s32 $0xFFFFC000  }
0x70: {  	[hbm4b:s20+s2] =	stream.linear.scatter [tilespmem:s14], [sflag:$0x2], $0x4000, $0x38;
	[tilespmem:$0x12000] =	vst v63  }
0x71: {  	_ =	swait.ge [sflag:s7], $0x4000  }
0x72: {  	s18 =	sadd.s32 $0x100, s18;
	[sflag:s7] =	ssyncset.done $0x0  }
0x73: {  	s19 =	sadd.s32 $0xFFFA0000, s18;
	[sflag:s7] =	ssyncadd.s32 $0xFFFFC000  }
0x74: {  	[tilespmem:s2], [sflag:$0x2] =	stream.linear.gather [hbm4b:s19+s2], $0x800, $0x38;
	[tilespmem:$0x12000] =	vst v63  }
0x75: {  	_ =	swait.ge [sflag:s7], $0x800  }
0x76: {  	[sflag:s7] =	ssyncset.done $0x0  }
0x77: {  	s28 =	sadd.s32 $0xFFFC0000, s18;
	[sflag:s7] =	ssyncadd.s32 $0xFFFFF800  }
0x78: {  	[tilespmem:s8], [sflag:$0x2] =	stream.linear.gather [hbm4b:s28+s2], $0x800, $0x38;
	[tilespmem:$0x12000] =	vst v63  }
0x79: {  	_ =	swait.ge [sflag:s7], $0x800  }
0x7a: {  	[sflag:s7] =	ssyncset.done $0x0  }
0x7b: {  	s29 =	sadd.s32 $0xFFFE0000, s18;
	[sflag:s7] =	ssyncadd.s32 $0xFFFFF800  }
0x7c: {  	[tilespmem:s9], [sflag:$0x2] =	stream.linear.gather [hbm4b:s29+s2], $0x800, $0x38;
	[tilespmem:$0x12000] =	vst v63  }
0x7d: {  	_ =	swait.ge [sflag:s7], $0x800  }
0x7e: {  	[sflag:s7] =	ssyncset.done $0x0  }
0x7f: {  	[sflag:s7] =	ssyncadd.s32 $0xFFFFF800  }
0x80: {  	[tilespmem:s10], [sflag:$0x2] =	stream.linear.gather [hbm4b:s18+s2], $0x800, $0x38;
	[tilespmem:$0x12000] =	vst v63  }
0x81: {  	_ =	swait.ge [sflag:s7], $0x800  }
0x82: {  	[sflag:s7] =	ssyncset.done $0x0  }
0x83: {  	[sflag:s7] =	ssyncadd.s32 $0xFFFFF800  }
0x84: {  	[tilespmem:s11], [sflag:$0x1] =	stream.indirect.gather [hbm4b:s3+s8], $0x2, s2, s8, $0xb8;
	[tilespmem:$0x12000] =	vst v63  }
0x85: {  	_ = 	snop  }
0x86: {  	[tilespmem:s12], [sflag:$0x1] =	stream.indirect.gather [hbm4b:s3+s8], $0x2, s8, s8, $0xb8;
	[tilespmem:$0x12000] =	vst v63  }
0x87: {  	_ = 	snop  }
0x88: {  	[tilespmem:s13], [sflag:$0x1] =	stream.indirect.gather [hbm4b:s3+s8], $0x2, s9, s8, $0xb8;
	[tilespmem:$0x12000] =	vst v63  }
0x89: {  	_ = 	snop  }
0x8a: {  	[tilespmem:s14], [sflag:$0x1] =	stream.indirect.gather [hbm4b:s3+s8], $0x2, s10, s8, $0xb8;
	[tilespmem:$0x12000] =	vst v63  }
0x8b: {  	_ =	swait.ge [sflag:s15], $0x1000  }
0x8c: {  	[sflag:s15] =	ssyncset.done $0x0  }
0x8d: {  	[sflag:s15] =	ssyncadd.s32 $0xFFFFF000  }
0x8e: {  	_ =	swait.ge [sflag:s15], $0x1000  }
0x8f: {  	[sflag:s15] =	ssyncset.done $0x0  }
0x90: {  	[sflag:s15] =	ssyncadd.s32 $0xFFFFF000  }
0x91: {  	_ =	swait.ge [sflag:s15], $0x1000  }
0x92: {  	[sflag:s15] =	ssyncset.done $0x0  }
0x93: {  	[sflag:s15] =	ssyncadd.s32 $0xFFFFF000  }
0x94: {  	_ =	swait.ge [sflag:s15], $0x1000  }
0x95: {  	[sflag:s15] =	ssyncset.done $0x0  }
0x96: {  	s17 =	sadd.s32 s17, s5;
	[sflag:s15] =	ssyncadd.s32 $0xFFFFF000  }
0x97: {  	[hbm4b:s17+s2] =	stream.linear.scatter [tilespmem:s11], [sflag:$0x2], $0x4000, $0x38;
	[tilespmem:$0x12000] =	vst v63  }
0x98: {  	_ =	swait.ge [sflag:s7], $0x4000  }
0x99: {  	[sflag:s7] =	ssyncset.done $0x0  }
0x9a: {  	s30 =	sadd.s32 $0x100000, s17;
	[sflag:s7] =	ssyncadd.s32 $0xFFFFC000  }
0x9b: {  	[hbm4b:s30+s2] =	stream.linear.scatter [tilespmem:s12], [sflag:$0x2], $0x4000, $0x38;
	[tilespmem:$0x12000] =	vst v63  }
0x9c: {  	_ =	swait.ge [sflag:s7], $0x4000  }
0x9d: {  	[sflag:s7] =	ssyncset.done $0x0  }
0x9e: {  	s31 =	sadd.s32 $0x200000, s17;
	[sflag:s7] =	ssyncadd.s32 $0xFFFFC000  }
0x9f: {  	[hbm4b:s31+s2] =	stream.linear.scatter [tilespmem:s13], [sflag:$0x2], $0x4000, $0x38;
	[tilespmem:$0x12000] =	vst v63  }
0xa0: {  	s16 =	sadd.s32 $0x1, s16;
	_ =	swait.ge [sflag:s7], $0x4000  }
0xa1: {  	p0 =	sne.s32 s16, s4;
	[sflag:s7] =	ssyncset.done $0x0  }
.Ltmp1:
0xa2: {  	s17 =	sadd.s32 $0x300000, s17;
	[sflag:s7] =	ssyncadd.s32 $0xFFFFC000;
	(pc) =	sbr.rel @p0 .LBB2_1-.Ltmp1, $4  }
0xa3: {  	[hbm4b:s17+s2] =	stream.linear.scatter [tilespmem:s14], [sflag:$0x2], $0x4000, $0x38;
	[tilespmem:$0x12000] =	vst v63  }
0xa4: {  	_ =	swait.ge [sflag:s7], $0x4000  }
0xa5: {  	[sflag:s7] =	ssyncset.done $0x0  }
0xa6: {  	[sflag:s7] =	ssyncadd.s32 $0xFFFFC000  }
0xa7: {  	_ =	sfence.sel $0x180000  }
0xa8: {  	[bflag:$0x0] =	sbarrier.arrive $0xFFFF  }
0xa9: {  	p0 =	sne.s32 s1, $0x0;
	_ =	strace $0x90000047  }
0xaa: {  	s0 =	sadd.s32 @!p0 $0x100000, s0;
	[bflag:$0x2] =	sbarrier.arrive $0xFFFF  }
0xab: {  	[sflag:s0] =	ssyncadd.tile.s32 @!p0 $0x1;
	_ =	shalt  }
.Lfunc_end2:
_tile_overlayer_lowered:
.L_overlay_start_2:
0xac: {  	(tag) =	ssettag $0x2  }
0xad: {  	s0 =	rddreg [dreg:$0x0];
	s2 =	stileid.u32  }
0xae: {  	s1 =	rddreg [dreg:$0x1];
	p0 =	sne.s32 s2, $0x0  }
0xaf: {  	s3 =	rddreg [dreg:$0x2];
	[bflag:$0x3] =	sbarrier.arrive $0xFFFF;
	s2 =	simm.s32 @!p0 $0x1C02  }
0xb0: {  	[timem:s3], [sflag:s2] =	dma.local @!p0 [hbm:s0], s1  }
0xb1: {  	s0 =	simm.s32 @!p0 $0x2  }
0xb2: {  	_ =	swait.ge @!p0 [sflag:s0], s1  }
0xb3: {  	s1 =	ssub.s32 @!p0 $0x0, s1;
	[sflag:s0] =	ssyncset.done @!p0 $0x0  }
0xb4: {  	[sflag:s0] =	ssyncadd.s32 @!p0 s1  }
0xb5: {  	[bflag:$0x3] =	sbarrier.arrive $0xFFFF  }
0xb6: {  	_ =	shalt  }

</sc_bundles>
